<compile_context>
chip_gen: v7x
topology: tpu7x:2x2x1
jax: 0.10.2.dev20260603
libtpu: 0.0.44.dev20260713+nightly
codegen_flags: <defaults>
</compile_context>

<pallas_src>
import jax
import jax.numpy as jnp
from jax import lax
from jax.experimental import pallas as pl
from jax.experimental.pallas import tpu as pltpu
from jax.experimental.pallas import tpu_sc as plsc

N_NODES = 10000
N_EDGES = 320000
D_FEAT = 128

NC = 2
NS = 16
NW = NC * NS
EDGES_PER_WORKER = N_EDGES // NW
CHUNK = 80
NCHUNKS = EDGES_PER_WORKER // CHUNK
IDXBLK = 25
NBLK = NCHUNKS // IDXBLK
NBUF = 3
ZW = 80
N_PAD = 10240
ROWS_PER_TILE = N_PAD // NS


def _sc_body(x_hbm, u_hbm, v_hbm, out_hbm, u_v, v_v, rows_v, acc,
             gsem, asem, isem):
    cid = lax.axis_index("c")
    sid = lax.axis_index("s")
    wid = sid * NC + cid

    pltpu.sync_copy(u_hbm.at[wid, 0], u_v.at[0])
    pltpu.sync_copy(v_hbm.at[wid, 0], v_v.at[0])
    pltpu.async_copy(x_hbm.at[u_v.at[0, 0]], rows_v.at[0], gsem.at[0])
    pltpu.async_copy(x_hbm.at[u_v.at[0, 1]], rows_v.at[1], gsem.at[1])

    zero16 = jnp.zeros((16,), jnp.float32)

    @pl.loop(0, ZW * (D_FEAT // 16))
    def _zero(i):
        r = i // (D_FEAT // 16)
        c = (i % (D_FEAT // 16)) * 16
        rows_v[2, r, pl.ds(c, 16)] = zero16

    base = sid * ROWS_PER_TILE
    for k in range(ROWS_PER_TILE // ZW):
        pltpu.sync_copy(
            rows_v.at[2, pl.ds(0, ZW)], acc.at[pl.ds(base + k * ZW, ZW)]
        )
    plsc.subcore_barrier()

    @pl.loop(0, NCHUNKS)
    def _chunk(k):
        p = k % NBUF
        s = (k // IDXBLK) % 2
        j = k % IDXBLK
        kn = k + 2
        bn = kn // IDXBLK
        sn = bn % 2
        jn = kn % IDXBLK

        pltpu.make_async_copy(
            x_hbm.at[u_v.at[s, j]], rows_v.at[p], gsem.at[p]
        ).wait()

        @pl.when(k >= 1)
        def _():
            pltpu.make_async_copy(
                rows_v.at[(k - 1) % NBUF], acc.at[v_v.at[0, 0]],
                asem.at[0],
            ).wait()

        pltpu.async_copy(rows_v.at[p], acc.at[v_v.at[s, j]], asem.at[0],
                         add=True)

        @pl.when(kn < NCHUNKS)
        def _():
            @pl.when(jn == 0)
            def _():
                pltpu.make_async_copy(
                    u_hbm.at[wid, 0], u_v.at[0], isem.at[0]
                ).wait()
                pltpu.make_async_copy(
                    v_hbm.at[wid, 0], v_v.at[0], isem.at[1]
                ).wait()

            pltpu.async_copy(x_hbm.at[u_v.at[sn, jn]], rows_v.at[kn % NBUF],
                             gsem.at[kn % NBUF])

        @pl.when((jn == 2) & (bn + 1 < NBLK))
        def _():
            pltpu.async_copy(u_hbm.at[wid, bn + 1], u_v.at[(bn + 1) % 2],
                             isem.at[0])
            pltpu.async_copy(v_hbm.at[wid, bn + 1], v_v.at[(bn + 1) % 2],
                             isem.at[1])

    pltpu.make_async_copy(
        rows_v.at[(NCHUNKS - 1) % NBUF], acc.at[v_v.at[0, 0]],
        asem.at[0],
    ).wait()
    plsc.subcore_barrier()

    pltpu.sync_copy(
        acc.at[pl.ds(base, ROWS_PER_TILE)],
        out_hbm.at[cid, pl.ds(base, ROWS_PER_TILE)],
    )


_sc_scatter = pl.kernel(
    _sc_body,
    out_type=jax.ShapeDtypeStruct((NC, N_PAD, D_FEAT), jnp.float32),
    mesh=plsc.VectorSubcoreMesh(
        core_axis_name="c", subcore_axis_name="s", num_cores=NC, num_subcores=NS
    ),
    scratch_types=[
        pltpu.VMEM((2, IDXBLK, CHUNK), jnp.int32),
        pltpu.VMEM((2, IDXBLK, CHUNK), jnp.int32),
        pltpu.VMEM((NBUF, CHUNK, D_FEAT), jnp.float32),
        pltpu.VMEM_SHARED((N_PAD, D_FEAT), jnp.float32),
        pltpu.SemaphoreType.DMA((NBUF,)),
        pltpu.SemaphoreType.DMA((NBUF,)),
        pltpu.SemaphoreType.DMA((2,)),
    ],
)


def _combine_body(p_ref, o_ref):
    o_ref[...] = p_ref[0, :N_NODES] + p_ref[1, :N_NODES]


def _combine(partials):
    return pl.pallas_call(
        _combine_body,
        out_shape=jax.ShapeDtypeStruct((N_NODES, D_FEAT), jnp.float32),
    )(partials)


@jax.jit
def kernel(x, u, v):
    u4 = u.reshape(NW, NBLK, IDXBLK, CHUNK)
    v4 = v.reshape(NW, NBLK, IDXBLK, CHUNK)
    partials = _sc_scatter(x, u4, v4)
    return _combine(partials)

# --- scband reference (transcript-rebuilt; emitter-appended) ---
"""Pipeline reference for scband-neura-logic-helper-layer-87316685128562 (READ-ONLY COPY).

The authoritative reference and input builder live on the scoring server;
editing this copy changes nothing except your own understanding.
"""

import jax, jax.numpy as jnp
import numpy as np

N_NODES = 10000
N_EDGES = 320000
D_FEAT = 128


def setup_inputs(seed: int = 0) -> dict:
    key = jax.random.key(seed)
    k1, k2, k3 = jax.random.split(key, 3)
    x = jax.random.normal(k1, (N_NODES, D_FEAT), dtype=jnp.float32)
    u = jax.random.randint(k2, (N_EDGES,), 0, N_NODES, dtype=jnp.int32)
    v = jax.random.randint(k3, (N_EDGES,), 0, N_NODES, dtype=jnp.int32)
    return {"x": x, "u": u, "v": v}


def reference(x, u, v):
    # NeuraLogicHelperLayer.forward with layer.has_weights == False and
    # layer.activation == 'Sum' (the default 'Sum' reduce path):
    #   g = dgl.graph((u, v), num_nodes=neuron_count)
    #   g.update_all(fn.copy_src('x','m'), fn.sum('m','x'))
    # i.e. message = gather source features along edges, reduce = scatter-add
    # into destination nodes. Nodes with no incoming edges become zeros
    # (update_all overwrites ndata['x'] with the reduce result).
    n = x.shape[0]
    msgs = jnp.take(x, u, axis=0)               # gather: [E, D]
    out = jax.ops.segment_sum(msgs, v, num_segments=n)  # scatter-add: [N, D]
    return out

if __name__ == "__main__":
    import jax
    _d = setup_inputs()
    print(jax.jit(kernel)(*tuple(_d.values())))

</pallas_src>

<mosaic_0001>
#map = affine_map<(d0, d1) -> (0, 0)>
#map1 = affine_map<(d0, d1) -> (0, 0, 0, 0)>
#map2 = affine_map<(d0, d1) -> (0, 0, 0)>
module attributes {stable_mosaic.version = 14 : i64} {
  func.func @_sc_body(%arg0: i32, %arg1: i32, %arg2: memref<10000x128xf32, #tpu.memory_space<hbm>>, %arg3: memref<32x5x25x80xi32, #tpu.memory_space<hbm>>, %arg4: memref<32x5x25x80xi32, #tpu.memory_space<hbm>>, %arg5: memref<2x10240x128xf32, #tpu.memory_space<hbm>>, %arg6: memref<2x25x80xi32, #tpu.memory_space<vmem>>, %arg7: memref<2x25x80xi32, #tpu.memory_space<vmem>>, %arg8: memref<3x80x128xf32, #tpu.memory_space<vmem>>, %arg9: memref<10240x128xf32, #tpu.memory_space<vmem_shared>>, %arg10: memref<3x!tpu.dma_semaphore, #tpu.memory_space<semaphore_mem>>, %arg11: memref<3x!tpu.dma_semaphore, #tpu.memory_space<semaphore_mem>>, %arg12: memref<2x!tpu.dma_semaphore, #tpu.memory_space<semaphore_mem>>) attributes {dimension_semantics = [#tpu.dimension_semantics<core_parallel>, #tpu.dimension_semantics<subcore_parallel>], iteration_bounds = array<i64: 2, 16>, scalar_prefetch = 0 : i64, scratch_operands = 7 : i64, tpu.core_type = #tpu.core_type<sc_vector_subcore>, window_params = [{transform_indices = #map}, {transform_indices = #map1}, {transform_indices = #map1}, {transform_indices = #map2}]} {
    %mul3A = arith.constant 2 : i32
    %mul3A_0 = arith.muli %arg1, %mul3A : i32
    %add3A = arith.addi %mul3A_0, %arg0 : i32
    %run_scoped3A = arith.constant 0 : i32
    %run_scoped3A_1 = arith.constant 0 : i32
    "tpu.region"() ({
      %run_scoped3A_87 = tpu.sem_alloc : memref<!tpu.dma_semaphore, #tpu.memory_space<semaphore_mem>>
      %dma_start3A_88 = arith.constant 0 : i32
      %dma_start3A_89 = arith.constant 0 : i32
      %dma_start3A_90 = tpu.memref_slice %arg6[%run_scoped3A_1, %dma_start3A_88, %dma_start3A_89] : memref<2x25x80xi32, #tpu.memory_space<vmem>> -> memref<1x25x80xi32, #tpu.memory_space<vmem>>
      %dma_start3A_91 = tpu.memref_squeeze %dma_start3A_90 : memref<1x25x80xi32, #tpu.memory_space<vmem>> -> memref<25x80xi32, #tpu.memory_space<vmem>>
      %dma_start3A_92 = arith.constant 0 : i32
      %dma_start3A_93 = arith.constant 0 : i32
      %dma_start3A_94 = tpu.memref_slice %arg3[%add3A, %run_scoped3A, %dma_start3A_92, %dma_start3A_93] : memref<32x5x25x80xi32, #tpu.memory_space<hbm>> -> memref<1x1x25x80xi32, #tpu.memory_space<hbm>>
      %dma_start3A_95 = tpu.memref_squeeze %dma_start3A_94 : memref<1x1x25x80xi32, #tpu.memory_space<hbm>> -> memref<25x80xi32, #tpu.memory_space<hbm>>
      %dma_start3A_96 = arith.constant 0 : i32
      %dma_start3A_97 = arith.constant 0 : i32
      %dma_start3A_98 = tpu.memref_slice %arg6[%run_scoped3A_1, %dma_start3A_96, %dma_start3A_97] : memref<2x25x80xi32, #tpu.memory_space<vmem>> -> memref<1x25x80xi32, #tpu.memory_space<vmem>>
      %dma_start3A_99 = tpu.memref_squeeze %dma_start3A_98 : memref<1x25x80xi32, #tpu.memory_space<vmem>> -> memref<25x80xi32, #tpu.memory_space<vmem>>
      %dma_start3A_100 = arith.constant 0 : i32
      %dma_start3A_101 = arith.constant 0 : i32
      %dma_start3A_102 = tpu.memref_slice %arg3[%add3A, %run_scoped3A, %dma_start3A_100, %dma_start3A_101] : memref<32x5x25x80xi32, #tpu.memory_space<hbm>> -> memref<1x1x25x80xi32, #tpu.memory_space<hbm>>
      %dma_start3A_103 = tpu.memref_squeeze %dma_start3A_102 : memref<1x1x25x80xi32, #tpu.memory_space<hbm>> -> memref<25x80xi32, #tpu.memory_space<hbm>>
      tpu.enqueue_dma source(%dma_start3A_103 : memref<25x80xi32, #tpu.memory_space<hbm>>) target(%dma_start3A_99 : memref<25x80xi32, #tpu.memory_space<vmem>>) target_semaphore(%run_scoped3A_87 : memref<!tpu.dma_semaphore, #tpu.memory_space<semaphore_mem>>)
      %dma_wait3A_104 = arith.constant 0 : i32
      %dma_wait3A_105 = arith.constant 0 : i32
      %dma_wait3A_106 = tpu.memref_slice %arg6[%run_scoped3A_1, %dma_wait3A_104, %dma_wait3A_105] : memref<2x25x80xi32, #tpu.memory_space<vmem>> -> memref<1x25x80xi32, #tpu.memory_space<vmem>>
      %dma_wait3A_107 = tpu.memref_squeeze %dma_wait3A_106 : memref<1x25x80xi32, #tpu.memory_space<vmem>> -> memref<25x80xi32, #tpu.memory_space<vmem>>
      %dma_wait3A_108 = arith.constant 0 : i32
      %dma_wait3A_109 = arith.constant 0 : i32
      %dma_wait3A_110 = tpu.memref_slice %arg3[%add3A, %run_scoped3A, %dma_wait3A_108, %dma_wait3A_109] : memref<32x5x25x80xi32, #tpu.memory_space<hbm>> -> memref<1x1x25x80xi32, #tpu.memory_space<hbm>>
      %dma_wait3A_111 = tpu.memref_squeeze %dma_wait3A_110 : memref<1x1x25x80xi32, #tpu.memory_space<hbm>> -> memref<25x80xi32, #tpu.memory_space<hbm>>
      %dma_wait3A_112 = arith.constant 0 : i32
      %dma_wait3A_113 = arith.constant 0 : i32
      %dma_wait3A_114 = tpu.memref_slice %arg6[%run_scoped3A_1, %dma_wait3A_112, %dma_wait3A_113] : memref<2x25x80xi32, #tpu.memory_space<vmem>> -> memref<1x25x80xi32, #tpu.memory_space<vmem>>
      %dma_wait3A_115 = tpu.memref_squeeze %dma_wait3A_114 : memref<1x25x80xi32, #tpu.memory_space<vmem>> -> memref<25x80xi32, #tpu.memory_space<vmem>>
      %dma_wait3A_116 = arith.constant 0 : i32
      %dma_wait3A_117 = arith.constant 0 : i32
      %dma_wait3A_118 = tpu.memref_slice %arg3[%add3A, %run_scoped3A, %dma_wait3A_116, %dma_wait3A_117] : memref<32x5x25x80xi32, #tpu.memory_space<hbm>> -> memref<1x1x25x80xi32, #tpu.memory_space<hbm>>
      %dma_wait3A_119 = tpu.memref_squeeze %dma_wait3A_118 : memref<1x1x25x80xi32, #tpu.memory_space<hbm>> -> memref<25x80xi32, #tpu.memory_space<hbm>>
      tpu.wait_dma2 semaphore(%run_scoped3A_87 : memref<!tpu.dma_semaphore, #tpu.memory_space<semaphore_mem>>) src(%dma_wait3A_119 : memref<25x80xi32, #tpu.memory_space<hbm>>) dst(%dma_wait3A_115 : memref<25x80xi32, #tpu.memory_space<vmem>>)
      tpu.yield
    }) : () -> ()
    %run_scoped3A_2 = arith.constant 0 : i32
    %run_scoped3A_3 = arith.constant 0 : i32
    "tpu.region"() ({
      %run_scoped3A_87 = tpu.sem_alloc : memref<!tpu.dma_semaphore, #tpu.memory_space<semaphore_mem>>
      %dma_start3A_88 = arith.constant 0 : i32
      %dma_start3A_89 = arith.constant 0 : i32
      %dma_start3A_90 = tpu.memref_slice %arg7[%run_scoped3A_3, %dma_start3A_88, %dma_start3A_89] : memref<2x25x80xi32, #tpu.memory_space<vmem>> -> memref<1x25x80xi32, #tpu.memory_space<vmem>>
      %dma_start3A_91 = tpu.memref_squeeze %dma_start3A_90 : memref<1x25x80xi32, #tpu.memory_space<vmem>> -> memref<25x80xi32, #tpu.memory_space<vmem>>
      %dma_start3A_92 = arith.constant 0 : i32
      %dma_start3A_93 = arith.constant 0 : i32
      %dma_start3A_94 = tpu.memref_slice %arg4[%add3A, %run_scoped3A_2, %dma_start3A_92, %dma_start3A_93] : memref<32x5x25x80xi32, #tpu.memory_space<hbm>> -> memref<1x1x25x80xi32, #tpu.memory_space<hbm>>
      %dma_start3A_95 = tpu.memref_squeeze %dma_start3A_94 : memref<1x1x25x80xi32, #tpu.memory_space<hbm>> -> memref<25x80xi32, #tpu.memory_space<hbm>>
      %dma_start3A_96 = arith.constant 0 : i32
      %dma_start3A_97 = arith.constant 0 : i32
      %dma_start3A_98 = tpu.memref_slice %arg7[%run_scoped3A_3, %dma_start3A_96, %dma_start3A_97] : memref<2x25x80xi32, #tpu.memory_space<vmem>> -> memref<1x25x80xi32, #tpu.memory_space<vmem>>
      %dma_start3A_99 = tpu.memref_squeeze %dma_start3A_98 : memref<1x25x80xi32, #tpu.memory_space<vmem>> -> memref<25x80xi32, #tpu.memory_space<vmem>>
      %dma_start3A_100 = arith.constant 0 : i32
      %dma_start3A_101 = arith.constant 0 : i32
      %dma_start3A_102 = tpu.memref_slice %arg4[%add3A, %run_scoped3A_2, %dma_start3A_100, %dma_start3A_101] : memref<32x5x25x80xi32, #tpu.memory_space<hbm>> -> memref<1x1x25x80xi32, #tpu.memory_space<hbm>>
      %dma_start3A_103 = tpu.memref_squeeze %dma_start3A_102 : memref<1x1x25x80xi32, #tpu.memory_space<hbm>> -> memref<25x80xi32, #tpu.memory_space<hbm>>
      tpu.enqueue_dma source(%dma_start3A_103 : memref<25x80xi32, #tpu.memory_space<hbm>>) target(%dma_start3A_99 : memref<25x80xi32, #tpu.memory_space<vmem>>) target_semaphore(%run_scoped3A_87 : memref<!tpu.dma_semaphore, #tpu.memory_space<semaphore_mem>>)
      %dma_wait3A_104 = arith.constant 0 : i32
      %dma_wait3A_105 = arith.constant 0 : i32
      %dma_wait3A_106 = tpu.memref_slice %arg7[%run_scoped3A_3, %dma_wait3A_104, %dma_wait3A_105] : memref<2x25x80xi32, #tpu.memory_space<vmem>> -> memref<1x25x80xi32, #tpu.memory_space<vmem>>
      %dma_wait3A_107 = tpu.memref_squeeze %dma_wait3A_106 : memref<1x25x80xi32, #tpu.memory_space<vmem>> -> memref<25x80xi32, #tpu.memory_space<vmem>>
      %dma_wait3A_108 = arith.constant 0 : i32
      %dma_wait3A_109 = arith.constant 0 : i32
      %dma_wait3A_110 = tpu.memref_slice %arg4[%add3A, %run_scoped3A_2, %dma_wait3A_108, %dma_wait3A_109] : memref<32x5x25x80xi32, #tpu.memory_space<hbm>> -> memref<1x1x25x80xi32, #tpu.memory_space<hbm>>
      %dma_wait3A_111 = tpu.memref_squeeze %dma_wait3A_110 : memref<1x1x25x80xi32, #tpu.memory_space<hbm>> -> memref<25x80xi32, #tpu.memory_space<hbm>>
      %dma_wait3A_112 = arith.constant 0 : i32
      %dma_wait3A_113 = arith.constant 0 : i32
      %dma_wait3A_114 = tpu.memref_slice %arg7[%run_scoped3A_3, %dma_wait3A_112, %dma_wait3A_113] : memref<2x25x80xi32, #tpu.memory_space<vmem>> -> memref<1x25x80xi32, #tpu.memory_space<vmem>>
      %dma_wait3A_115 = tpu.memref_squeeze %dma_wait3A_114 : memref<1x25x80xi32, #tpu.memory_space<vmem>> -> memref<25x80xi32, #tpu.memory_space<vmem>>
      %dma_wait3A_116 = arith.constant 0 : i32
      %dma_wait3A_117 = arith.constant 0 : i32
      %dma_wait3A_118 = tpu.memref_slice %arg4[%add3A, %run_scoped3A_2, %dma_wait3A_116, %dma_wait3A_117] : memref<32x5x25x80xi32, #tpu.memory_space<hbm>> -> memref<1x1x25x80xi32, #tpu.memory_space<hbm>>
      %dma_wait3A_119 = tpu.memref_squeeze %dma_wait3A_118 : memref<1x1x25x80xi32, #tpu.memory_space<hbm>> -> memref<25x80xi32, #tpu.memory_space<hbm>>
      tpu.wait_dma2 semaphore(%run_scoped3A_87 : memref<!tpu.dma_semaphore, #tpu.memory_space<semaphore_mem>>) src(%dma_wait3A_119 : memref<25x80xi32, #tpu.memory_space<hbm>>) dst(%dma_wait3A_115 : memref<25x80xi32, #tpu.memory_space<vmem>>)
      tpu.yield
    }) : () -> ()
    %dma_start3A = arith.constant 0 : i32
    %dma_start3A_4 = arith.constant 0 : i32
    %dma_start3A_5 = arith.constant 0 : i32
    %dma_start3A_6 = arith.constant 0 : i32
    %dma_start3A_7 = arith.constant 0 : i32
    %dma_start3A_8 = arith.constant 0 : i32
    %dma_start3A_9 = tpu.memref_slice %arg8[%dma_start3A_5, %dma_start3A_7, %dma_start3A_8] : memref<3x80x128xf32, #tpu.memory_space<vmem>> -> memref<1x80x128xf32, #tpu.memory_space<vmem>>
    %dma_start3A_10 = tpu.memref_squeeze %dma_start3A_9 : memref<1x80x128xf32, #tpu.memory_space<vmem>> -> memref<80x128xf32, #tpu.memory_space<vmem>>
    %dma_start3A_11 = arith.constant 0 : i32
    %dma_start3A_12 = tpu.memref_slice %arg6[%dma_start3A, %dma_start3A_4, %dma_start3A_11] : memref<2x25x80xi32, #tpu.memory_space<vmem>> -> memref<1x1x80xi32, #tpu.memory_space<vmem>>
    %dma_start3A_13 = tpu.memref_squeeze %dma_start3A_12 : memref<1x1x80xi32, #tpu.memory_space<vmem>> -> memref<80xi32, #tpu.memory_space<vmem>>
    %dma_start3A_14 = arith.constant 0 : i32
    %dma_start3A_15 = arith.constant 0 : i32
    %dma_start3A_16 = tpu.memref_slice %arg2[%dma_start3A_14, %dma_start3A_15] : memref<10000x128xf32, #tpu.memory_space<hbm>> -> memref<10000x128xf32, #tpu.memory_space<hbm>>
    %dma_start3A_17 = tpu.memref_slice %arg10[%dma_start3A_6] : memref<3x!tpu.dma_semaphore, #tpu.memory_space<semaphore_mem>> -> memref<1x!tpu.dma_semaphore, #tpu.memory_space<semaphore_mem>>
    %dma_start3A_18 = tpu.memref_squeeze %dma_start3A_17 : memref<1x!tpu.dma_semaphore, #tpu.memory_space<semaphore_mem>> -> memref<!tpu.dma_semaphore, #tpu.memory_space<semaphore_mem>>
    tpu.enqueue_indirect_dma source(%dma_start3A_16 : memref<10000x128xf32, #tpu.memory_space<hbm>>) target(%dma_start3A_10 : memref<80x128xf32, #tpu.memory_space<vmem>>) offsets(%dma_start3A_13 : memref<80xi32, #tpu.memory_space<vmem>>) semaphore(%dma_start3A_18 : memref<!tpu.dma_semaphore, #tpu.memory_space<semaphore_mem>>)
    %dma_start3A_19 = arith.constant 0 : i32
    %dma_start3A_20 = arith.constant 1 : i32
    %dma_start3A_21 = arith.constant 1 : i32
    %dma_start3A_22 = arith.constant 1 : i32
    %dma_start3A_23 = arith.constant 0 : i32
    %dma_start3A_24 = arith.constant 0 : i32
    %dma_start3A_25 = tpu.memref_slice %arg8[%dma_start3A_21, %dma_start3A_23, %dma_start3A_24] : memref<3x80x128xf32, #tpu.memory_space<vmem>> -> memref<1x80x128xf32, #tpu.memory_space<vmem>>
    %dma_start3A_26 = tpu.memref_squeeze %dma_start3A_25 : memref<1x80x128xf32, #tpu.memory_space<vmem>> -> memref<80x128xf32, #tpu.memory_space<vmem>>
    %dma_start3A_27 = arith.constant 0 : i32
    %dma_start3A_28 = tpu.memref_slice %arg6[%dma_start3A_19, %dma_start3A_20, %dma_start3A_27] : memref<2x25x80xi32, #tpu.memory_space<vmem>> -> memref<1x1x80xi32, #tpu.memory_space<vmem>>
    %dma_start3A_29 = tpu.memref_squeeze %dma_start3A_28 : memref<1x1x80xi32, #tpu.memory_space<vmem>> -> memref<80xi32, #tpu.memory_space<vmem>>
    %dma_start3A_30 = arith.constant 0 : i32
    %dma_start3A_31 = arith.constant 0 : i32
    %dma_start3A_32 = tpu.memref_slice %arg2[%dma_start3A_30, %dma_start3A_31] : memref<10000x128xf32, #tpu.memory_space<hbm>> -> memref<10000x128xf32, #tpu.memory_space<hbm>>
    %dma_start3A_33 = tpu.memref_slice %arg10[%dma_start3A_22] : memref<3x!tpu.dma_semaphore, #tpu.memory_space<semaphore_mem>> -> memref<1x!tpu.dma_semaphore, #tpu.memory_space<semaphore_mem>>
    %dma_start3A_34 = tpu.memref_squeeze %dma_start3A_33 : memref<1x!tpu.dma_semaphore, #tpu.memory_space<semaphore_mem>> -> memref<!tpu.dma_semaphore, #tpu.memory_space<semaphore_mem>>
    tpu.enqueue_indirect_dma source(%dma_start3A_32 : memref<10000x128xf32, #tpu.memory_space<hbm>>) target(%dma_start3A_26 : memref<80x128xf32, #tpu.memory_space<vmem>>) offsets(%dma_start3A_29 : memref<80xi32, #tpu.memory_space<vmem>>) semaphore(%dma_start3A_34 : memref<!tpu.dma_semaphore, #tpu.memory_space<semaphore_mem>>)
    %broadcast_in_dim3A = arith.constant 0.000000e+00 : f32
    %broadcast_in_dim3A_35 = vector.broadcast %broadcast_in_dim3A : f32 to vector<16xf32>
    %scan3A = arith.constant 0 : i32
    %scan3A_36 = arith.constant 640 : i32
    %scan3A_37 = arith.addi %scan3A, %scan3A_36 : i32
    %scan3A_38 = arith.constant 1 : i32
    scf.for %scan3A_87 = %scan3A to %scan3A_37 step %scan3A_38  : i32 {
      %mul3A_88 = arith.constant 1 : i32
      %mul3A_89 = arith.muli %scan3A_87, %mul3A_88 : i32
      %add3A_90 = arith.constant 0 : i32
      %add3A_91 = arith.addi %add3A_90, %mul3A_89 : i32
      %jit3A = arith.constant 8 : i32
      %div3A = arith.divsi %add3A_91, %jit3A : i32
      %sign3A = arith.constant 0 : i32
      %sign3A_92 = arith.cmpi sgt, %add3A_91, %sign3A : i32
      %sign3A_93 = arith.extui %sign3A_92 : i1 to i32
      %sign3A_94 = arith.constant 0 : i32
      %sign3A_95 = arith.cmpi slt, %add3A_91, %sign3A_94 : i32
      %sign3A_96 = arith.extui %sign3A_95 : i1 to i32
      %sign3A_97 = arith.subi %sign3A_93, %sign3A_96 : i32
      %sign3A_98 = arith.constant 0 : i32
      %sign3A_99 = arith.cmpi sgt, %jit3A, %sign3A_98 : i32
      %sign3A_100 = arith.extui %sign3A_99 : i1 to i32
      %sign3A_101 = arith.constant 0 : i32
      %sign3A_102 = arith.cmpi slt, %jit3A, %sign3A_101 : i32
      %sign3A_103 = arith.extui %sign3A_102 : i1 to i32
      %sign3A_104 = arith.subi %sign3A_100, %sign3A_103 : i32
      %ne3A = arith.cmpi ne, %sign3A_97, %sign3A_104 : i32
      %rem3A = arith.remsi %add3A_91, %jit3A : i32
      %ne3A_105 = arith.constant 0 : i32
      %ne3A_106 = arith.cmpi ne, %rem3A, %ne3A_105 : i32
      %and3A = arith.andi %ne3A, %ne3A_106 : i1
      %sub3A = arith.constant 1 : i32
      %sub3A_107 = arith.subi %div3A, %sub3A : i32
      %select_n3A = arith.select %and3A, %sub3A_107, %div3A : i32
      %jit3A_108 = arith.constant 8 : i32
      %eq3A = arith.constant 0 : i32
      %eq3A_109 = arith.cmpi eq, %jit3A_108, %eq3A : i32
      %jit3A_110 = arith.constant 1 : i32
      %select_n3A_111 = arith.select %eq3A_109, %jit3A_110, %jit3A_108 : i32
      %rem3A_112 = arith.remsi %add3A_91, %select_n3A_111 : i32
      %ne3A_113 = arith.constant 0 : i32
      %ne3A_114 = arith.cmpi ne, %rem3A_112, %ne3A_113 : i32
      %lt3A = arith.constant 0 : i32
      %lt3A_115 = arith.cmpi slt, %rem3A_112, %lt3A : i32
      %lt3A_116 = arith.constant 0 : i32
      %lt3A_117 = arith.cmpi slt, %select_n3A_111, %lt3A_116 : i32
      %ne3A_118 = arith.xori %lt3A_115, %lt3A_117 : i1
      %and3A_119 = arith.andi %ne3A_118, %ne3A_114 : i1
      %add3A_120 = arith.addi %rem3A_112, %select_n3A_111 : i32
      %select_n3A_121 = arith.select %and3A_119, %add3A_120, %rem3A_112 : i32
      %mul3A_122 = arith.constant 16 : i32
      %mul3A_123 = arith.muli %select_n3A_121, %mul3A_122 : i32
      %swap3A = arith.constant 2 : i32
      %swap3A_124 = arith.index_cast %swap3A : i32 to index
      %swap3A_125 = arith.index_cast %select_n3A : i32 to index
      %swap3A_126 = arith.index_cast %mul3A_123 : i32 to index
      %swap3A_127 = tpu.vector_load %arg8[%swap3A_124, %swap3A_125, %swap3A_126] {strides = array<i32>} : memref<3x80x128xf32, #tpu.memory_space<vmem>>, vector<1x1x16xf32>,
      %swap3A_128 = vector.shape_cast %swap3A_127 : vector<1x1x16xf32> to vector<16xf32>
      %swap3A_129 = vector.shape_cast %broadcast_in_dim3A_35 : vector<16xf32> to vector<1x1x16xf32>
      tpu.vector_store %arg8[%swap3A_124, %swap3A_125, %swap3A_126], %swap3A_129 {strides = array<i32>} : memref<3x80x128xf32, #tpu.memory_space<vmem>>, vector<1x1x16xf32>,
    }
    %scan3A_39 = arith.constant 640 : i32
    %mul3A_40 = arith.constant 640 : i32
    %mul3A_41 = arith.muli %arg1, %mul3A_40 : i32
    %add3A_42 = arith.constant 0 : i32
    %add3A_43 = arith.addi %mul3A_41, %add3A_42 : i32
    %run_scoped3A_44 = arith.constant 2 : i32
    "tpu.region"() ({
      %run_scoped3A_87 = tpu.sem_alloc : memref<!tpu.dma_semaphore, #tpu.memory_space<semaphore_mem>>
      %dma_start3A_88 = arith.constant 0 : i32
      %dma_start3A_89 = arith.constant 0 : i32
      %dma_start3A_90 = tpu.memref_slice %arg8[%run_scoped3A_44, %dma_start3A_88, %dma_start3A_89] : memref<3x80x128xf32, #tpu.memory_space<vmem>> -> memref<1x80x128xf32, #tpu.memory_space<vmem>>
      %dma_start3A_91 = tpu.memref_squeeze %dma_start3A_90 : memref<1x80x128xf32, #tpu.memory_space<vmem>> -> memref<80x128xf32, #tpu.memory_space<vmem>>
      %dma_start3A_92 = arith.constant 0 : i32
      %dma_start3A_93 = tpu.memref_slice %arg9[%add3A_43, %dma_start3A_92] : memref<10240x128xf32, #tpu.memory_space<vmem_shared>> -> memref<80x128xf32, #tpu.memory_space<vmem_shared>>
      %dma_start3A_94 = arith.constant 0 : i32
      %dma_start3A_95 = tpu.memref_slice %arg9[%add3A_43, %dma_start3A_94] : memref<10240x128xf32, #tpu.memory_space<vmem_shared>> -> memref<80x128xf32, #tpu.memory_space<vmem_shared>>
      %dma_start3A_96 = arith.constant 0 : i32
      %dma_start3A_97 = arith.constant 0 : i32
      %dma_start3A_98 = tpu.memref_slice %arg8[%run_scoped3A_44, %dma_start3A_96, %dma_start3A_97] : memref<3x80x128xf32, #tpu.memory_space<vmem>> -> memref<1x80x128xf32, #tpu.memory_space<vmem>>
      %dma_start3A_99 = tpu.memref_squeeze %dma_start3A_98 : memref<1x80x128xf32, #tpu.memory_space<vmem>> -> memref<80x128xf32, #tpu.memory_space<vmem>>
      tpu.enqueue_dma source(%dma_start3A_99 : memref<80x128xf32, #tpu.memory_space<vmem>>) target(%dma_start3A_95 : memref<80x128xf32, #tpu.memory_space<vmem_shared>>) target_semaphore(%run_scoped3A_87 : memref<!tpu.dma_semaphore, #tpu.memory_space<semaphore_mem>>)
      %dma_wait3A_100 = arith.constant 0 : i32
      %dma_wait3A_101 = arith.constant 0 : i32
      %dma_wait3A_102 = tpu.memref_slice %arg8[%run_scoped3A_44, %dma_wait3A_100, %dma_wait3A_101] : memref<3x80x128xf32, #tpu.memory_space<vmem>> -> memref<1x80x128xf32, #tpu.memory_space<vmem>>
      %dma_wait3A_103 = tpu.memref_squeeze %dma_wait3A_102 : memref<1x80x128xf32, #tpu.memory_space<vmem>> -> memref<80x128xf32, #tpu.memory_space<vmem>>
      %dma_wait3A_104 = arith.constant 0 : i32
      %dma_wait3A_105 = tpu.memref_slice %arg9[%add3A_43, %dma_wait3A_104] : memref<10240x128xf32, #tpu.memory_space<vmem_shared>> -> memref<80x128xf32, #tpu.memory_space<vmem_shared>>
      %dma_wait3A_106 = arith.constant 0 : i32
      %dma_wait3A_107 = tpu.memref_slice %arg9[%add3A_43, %dma_wait3A_106] : memref<10240x128xf32, #tpu.memory_space<vmem_shared>> -> memref<80x128xf32, #tpu.memory_space<vmem_shared>>
      %dma_wait3A_108 = arith.constant 0 : i32
      %dma_wait3A_109 = arith.constant 0 : i32
      %dma_wait3A_110 = tpu.memref_slice %arg8[%run_scoped3A_44, %dma_wait3A_108, %dma_wait3A_109] : memref<3x80x128xf32, #tpu.memory_space<vmem>> -> memref<1x80x128xf32, #tpu.memory_space<vmem>>
      %dma_wait3A_111 = tpu.memref_squeeze %dma_wait3A_110 : memref<1x80x128xf32, #tpu.memory_space<vmem>> -> memref<80x128xf32, #tpu.memory_space<vmem>>
      tpu.wait_dma2 semaphore(%run_scoped3A_87 : memref<!tpu.dma_semaphore, #tpu.memory_space<semaphore_mem>>) src(%dma_wait3A_111 : memref<80x128xf32, #tpu.memory_space<vmem>>) dst(%dma_wait3A_107 : memref<80x128xf32, #tpu.memory_space<vmem_shared>>)
      tpu.yield
    }) : () -> ()
    %add3A_45 = arith.constant 80 : i32
    %add3A_46 = arith.addi %mul3A_41, %add3A_45 : i32
    %run_scoped3A_47 = arith.constant 2 : i32
    "tpu.region"() ({
      %run_scoped3A_87 = tpu.sem_alloc : memref<!tpu.dma_semaphore, #tpu.memory_space<semaphore_mem>>
      %dma_start3A_88 = arith.constant 0 : i32
      %dma_start3A_89 = arith.constant 0 : i32
      %dma_start3A_90 = tpu.memref_slice %arg8[%run_scoped3A_47, %dma_start3A_88, %dma_start3A_89] : memref<3x80x128xf32, #tpu.memory_space<vmem>> -> memref<1x80x128xf32, #tpu.memory_space<vmem>>
      %dma_start3A_91 = tpu.memref_squeeze %dma_start3A_90 : memref<1x80x128xf32, #tpu.memory_space<vmem>> -> memref<80x128xf32, #tpu.memory_space<vmem>>
      %dma_start3A_92 = arith.constant 0 : i32
      %dma_start3A_93 = tpu.memref_slice %arg9[%add3A_46, %dma_start3A_92] : memref<10240x128xf32, #tpu.memory_space<vmem_shared>> -> memref<80x128xf32, #tpu.memory_space<vmem_shared>>
      %dma_start3A_94 = arith.constant 0 : i32
      %dma_start3A_95 = tpu.memref_slice %arg9[%add3A_46, %dma_start3A_94] : memref<10240x128xf32, #tpu.memory_space<vmem_shared>> -> memref<80x128xf32, #tpu.memory_space<vmem_shared>>
      %dma_start3A_96 = arith.constant 0 : i32
      %dma_start3A_97 = arith.constant 0 : i32
      %dma_start3A_98 = tpu.memref_slice %arg8[%run_scoped3A_47, %dma_start3A_96, %dma_start3A_97] : memref<3x80x128xf32, #tpu.memory_space<vmem>> -> memref<1x80x128xf32, #tpu.memory_space<vmem>>
      %dma_start3A_99 = tpu.memref_squeeze %dma_start3A_98 : memref<1x80x128xf32, #tpu.memory_space<vmem>> -> memref<80x128xf32, #tpu.memory_space<vmem>>
      tpu.enqueue_dma source(%dma_start3A_99 : memref<80x128xf32, #tpu.memory_space<vmem>>) target(%dma_start3A_95 : memref<80x128xf32, #tpu.memory_space<vmem_shared>>) target_semaphore(%run_scoped3A_87 : memref<!tpu.dma_semaphore, #tpu.memory_space<semaphore_mem>>)
      %dma_wait3A_100 = arith.constant 0 : i32
      %dma_wait3A_101 = arith.constant 0 : i32
      %dma_wait3A_102 = tpu.memref_slice %arg8[%run_scoped3A_47, %dma_wait3A_100, %dma_wait3A_101] : memref<3x80x128xf32, #tpu.memory_space<vmem>> -> memref<1x80x128xf32, #tpu.memory_space<vmem>>
      %dma_wait3A_103 = tpu.memref_squeeze %dma_wait3A_102 : memref<1x80x128xf32, #tpu.memory_space<vmem>> -> memref<80x128xf32, #tpu.memory_space<vmem>>
      %dma_wait3A_104 = arith.constant 0 : i32
      %dma_wait3A_105 = tpu.memref_slice %arg9[%add3A_46, %dma_wait3A_104] : memref<10240x128xf32, #tpu.memory_space<vmem_shared>> -> memref<80x128xf32, #tpu.memory_space<vmem_shared>>
      %dma_wait3A_106 = arith.constant 0 : i32
      %dma_wait3A_107 = tpu.memref_slice %arg9[%add3A_46, %dma_wait3A_106] : memref<10240x128xf32, #tpu.memory_space<vmem_shared>> -> memref<80x128xf32, #tpu.memory_space<vmem_shared>>
      %dma_wait3A_108 = arith.constant 0 : i32
      %dma_wait3A_109 = arith.constant 0 : i32
      %dma_wait3A_110 = tpu.memref_slice %arg8[%run_scoped3A_47, %dma_wait3A_108, %dma_wait3A_109] : memref<3x80x128xf32, #tpu.memory_space<vmem>> -> memref<1x80x128xf32, #tpu.memory_space<vmem>>
      %dma_wait3A_111 = tpu.memref_squeeze %dma_wait3A_110 : memref<1x80x128xf32, #tpu.memory_space<vmem>> -> memref<80x128xf32, #tpu.memory_space<vmem>>
      tpu.wait_dma2 semaphore(%run_scoped3A_87 : memref<!tpu.dma_semaphore, #tpu.memory_space<semaphore_mem>>) src(%dma_wait3A_111 : memref<80x128xf32, #tpu.memory_space<vmem>>) dst(%dma_wait3A_107 : memref<80x128xf32, #tpu.memory_space<vmem_shared>>)
      tpu.yield
    }) : () -> ()
    %add3A_48 = arith.constant 160 : i32
    %add3A_49 = arith.addi %mul3A_41, %add3A_48 : i32
    %run_scoped3A_50 = arith.constant 2 : i32
    "tpu.region"() ({
      %run_scoped3A_87 = tpu.sem_alloc : memref<!tpu.dma_semaphore, #tpu.memory_space<semaphore_mem>>
      %dma_start3A_88 = arith.constant 0 : i32
      %dma_start3A_89 = arith.constant 0 : i32
      %dma_start3A_90 = tpu.memref_slice %arg8[%run_scoped3A_50, %dma_start3A_88, %dma_start3A_89] : memref<3x80x128xf32, #tpu.memory_space<vmem>> -> memref<1x80x128xf32, #tpu.memory_space<vmem>>
      %dma_start3A_91 = tpu.memref_squeeze %dma_start3A_90 : memref<1x80x128xf32, #tpu.memory_space<vmem>> -> memref<80x128xf32, #tpu.memory_space<vmem>>
      %dma_start3A_92 = arith.constant 0 : i32
      %dma_start3A_93 = tpu.memref_slice %arg9[%add3A_49, %dma_start3A_92] : memref<10240x128xf32, #tpu.memory_space<vmem_shared>> -> memref<80x128xf32, #tpu.memory_space<vmem_shared>>
      %dma_start3A_94 = arith.constant 0 : i32
      %dma_start3A_95 = tpu.memref_slice %arg9[%add3A_49, %dma_start3A_94] : memref<10240x128xf32, #tpu.memory_space<vmem_shared>> -> memref<80x128xf32, #tpu.memory_space<vmem_shared>>
      %dma_start3A_96 = arith.constant 0 : i32
      %dma_start3A_97 = arith.constant 0 : i32
      %dma_start3A_98 = tpu.memref_slice %arg8[%run_scoped3A_50, %dma_start3A_96, %dma_start3A_97] : memref<3x80x128xf32, #tpu.memory_space<vmem>> -> memref<1x80x128xf32, #tpu.memory_space<vmem>>
      %dma_start3A_99 = tpu.memref_squeeze %dma_start3A_98 : memref<1x80x128xf32, #tpu.memory_space<vmem>> -> memref<80x128xf32, #tpu.memory_space<vmem>>
      tpu.enqueue_dma source(%dma_start3A_99 : memref<80x128xf32, #tpu.memory_space<vmem>>) target(%dma_start3A_95 : memref<80x128xf32, #tpu.memory_space<vmem_shared>>) target_semaphore(%run_scoped3A_87 : memref<!tpu.dma_semaphore, #tpu.memory_space<semaphore_mem>>)
      %dma_wait3A_100 = arith.constant 0 : i32
      %dma_wait3A_101 = arith.constant 0 : i32
      %dma_wait3A_102 = tpu.memref_slice %arg8[%run_scoped3A_50, %dma_wait3A_100, %dma_wait3A_101] : memref<3x80x128xf32, #tpu.memory_space<vmem>> -> memref<1x80x128xf32, #tpu.memory_space<vmem>>
      %dma_wait3A_103 = tpu.memref_squeeze %dma_wait3A_102 : memref<1x80x128xf32, #tpu.memory_space<vmem>> -> memref<80x128xf32, #tpu.memory_space<vmem>>
      %dma_wait3A_104 = arith.constant 0 : i32
      %dma_wait3A_105 = tpu.memref_slice %arg9[%add3A_49, %dma_wait3A_104] : memref<10240x128xf32, #tpu.memory_space<vmem_shared>> -> memref<80x128xf32, #tpu.memory_space<vmem_shared>>
      %dma_wait3A_106 = arith.constant 0 : i32
      %dma_wait3A_107 = tpu.memref_slice %arg9[%add3A_49, %dma_wait3A_106] : memref<10240x128xf32, #tpu.memory_space<vmem_shared>> -> memref<80x128xf32, #tpu.memory_space<vmem_shared>>
      %dma_wait3A_108 = arith.constant 0 : i32
      %dma_wait3A_109 = arith.constant 0 : i32
      %dma_wait3A_110 = tpu.memref_slice %arg8[%run_scoped3A_50, %dma_wait3A_108, %dma_wait3A_109] : memref<3x80x128xf32, #tpu.memory_space<vmem>> -> memref<1x80x128xf32, #tpu.memory_space<vmem>>
      %dma_wait3A_111 = tpu.memref_squeeze %dma_wait3A_110 : memref<1x80x128xf32, #tpu.memory_space<vmem>> -> memref<80x128xf32, #tpu.memory_space<vmem>>
      tpu.wait_dma2 semaphore(%run_scoped3A_87 : memref<!tpu.dma_semaphore, #tpu.memory_space<semaphore_mem>>) src(%dma_wait3A_111 : memref<80x128xf32, #tpu.memory_space<vmem>>) dst(%dma_wait3A_107 : memref<80x128xf32, #tpu.memory_space<vmem_shared>>)
      tpu.yield
    }) : () -> ()
    %add3A_51 = arith.constant 240 : i32
    %add3A_52 = arith.addi %mul3A_41, %add3A_51 : i32
    %run_scoped3A_53 = arith.constant 2 : i32
    "tpu.region"() ({
      %run_scoped3A_87 = tpu.sem_alloc : memref<!tpu.dma_semaphore, #tpu.memory_space<semaphore_mem>>
      %dma_start3A_88 = arith.constant 0 : i32
      %dma_start3A_89 = arith.constant 0 : i32
      %dma_start3A_90 = tpu.memref_slice %arg8[%run_scoped3A_53, %dma_start3A_88, %dma_start3A_89] : memref<3x80x128xf32, #tpu.memory_space<vmem>> -> memref<1x80x128xf32, #tpu.memory_space<vmem>>
      %dma_start3A_91 = tpu.memref_squeeze %dma_start3A_90 : memref<1x80x128xf32, #tpu.memory_space<vmem>> -> memref<80x128xf32, #tpu.memory_space<vmem>>
      %dma_start3A_92 = arith.constant 0 : i32
      %dma_start3A_93 = tpu.memref_slice %arg9[%add3A_52, %dma_start3A_92] : memref<10240x128xf32, #tpu.memory_space<vmem_shared>> -> memref<80x128xf32, #tpu.memory_space<vmem_shared>>
      %dma_start3A_94 = arith.constant 0 : i32
      %dma_start3A_95 = tpu.memref_slice %arg9[%add3A_52, %dma_start3A_94] : memref<10240x128xf32, #tpu.memory_space<vmem_shared>> -> memref<80x128xf32, #tpu.memory_space<vmem_shared>>
      %dma_start3A_96 = arith.constant 0 : i32
      %dma_start3A_97 = arith.constant 0 : i32
      %dma_start3A_98 = tpu.memref_slice %arg8[%run_scoped3A_53, %dma_start3A_96, %dma_start3A_97] : memref<3x80x128xf32, #tpu.memory_space<vmem>> -> memref<1x80x128xf32, #tpu.memory_space<vmem>>
      %dma_start3A_99 = tpu.memref_squeeze %dma_start3A_98 : memref<1x80x128xf32, #tpu.memory_space<vmem>> -> memref<80x128xf32, #tpu.memory_space<vmem>>
      tpu.enqueue_dma source(%dma_start3A_99 : memref<80x128xf32, #tpu.memory_space<vmem>>) target(%dma_start3A_95 : memref<80x128xf32, #tpu.memory_space<vmem_shared>>) target_semaphore(%run_scoped3A_87 : memref<!tpu.dma_semaphore, #tpu.memory_space<semaphore_mem>>)
      %dma_wait3A_100 = arith.constant 0 : i32
      %dma_wait3A_101 = arith.constant 0 : i32
      %dma_wait3A_102 = tpu.memref_slice %arg8[%run_scoped3A_53, %dma_wait3A_100, %dma_wait3A_101] : memref<3x80x128xf32, #tpu.memory_space<vmem>> -> memref<1x80x128xf32, #tpu.memory_space<vmem>>
      %dma_wait3A_103 = tpu.memref_squeeze %dma_wait3A_102 : memref<1x80x128xf32, #tpu.memory_space<vmem>> -> memref<80x128xf32, #tpu.memory_space<vmem>>
      %dma_wait3A_104 = arith.constant 0 : i32
      %dma_wait3A_105 = tpu.memref_slice %arg9[%add3A_52, %dma_wait3A_104] : memref<10240x128xf32, #tpu.memory_space<vmem_shared>> -> memref<80x128xf32, #tpu.memory_space<vmem_shared>>
      %dma_wait3A_106 = arith.constant 0 : i32
      %dma_wait3A_107 = tpu.memref_slice %arg9[%add3A_52, %dma_wait3A_106] : memref<10240x128xf32, #tpu.memory_space<vmem_shared>> -> memref<80x128xf32, #tpu.memory_space<vmem_shared>>
      %dma_wait3A_108 = arith.constant 0 : i32
      %dma_wait3A_109 = arith.constant 0 : i32
      %dma_wait3A_110 = tpu.memref_slice %arg8[%run_scoped3A_53, %dma_wait3A_108, %dma_wait3A_109] : memref<3x80x128xf32, #tpu.memory_space<vmem>> -> memref<1x80x128xf32, #tpu.memory_space<vmem>>
      %dma_wait3A_111 = tpu.memref_squeeze %dma_wait3A_110 : memref<1x80x128xf32, #tpu.memory_space<vmem>> -> memref<80x128xf32, #tpu.memory_space<vmem>>
      tpu.wait_dma2 semaphore(%run_scoped3A_87 : memref<!tpu.dma_semaphore, #tpu.memory_space<semaphore_mem>>) src(%dma_wait3A_111 : memref<80x128xf32, #tpu.memory_space<vmem>>) dst(%dma_wait3A_107 : memref<80x128xf32, #tpu.memory_space<vmem_shared>>)
      tpu.yield
    }) : () -> ()
    %add3A_54 = arith.constant 320 : i32
    %add3A_55 = arith.addi %mul3A_41, %add3A_54 : i32
    %run_scoped3A_56 = arith.constant 2 : i32
    "tpu.region"() ({
      %run_scoped3A_87 = tpu.sem_alloc : memref<!tpu.dma_semaphore, #tpu.memory_space<semaphore_mem>>
      %dma_start3A_88 = arith.constant 0 : i32
      %dma_start3A_89 = arith.constant 0 : i32
      %dma_start3A_90 = tpu.memref_slice %arg8[%run_scoped3A_56, %dma_start3A_88, %dma_start3A_89] : memref<3x80x128xf32, #tpu.memory_space<vmem>> -> memref<1x80x128xf32, #tpu.memory_space<vmem>>
      %dma_start3A_91 = tpu.memref_squeeze %dma_start3A_90 : memref<1x80x128xf32, #tpu.memory_space<vmem>> -> memref<80x128xf32, #tpu.memory_space<vmem>>
      %dma_start3A_92 = arith.constant 0 : i32
      %dma_start3A_93 = tpu.memref_slice %arg9[%add3A_55, %dma_start3A_92] : memref<10240x128xf32, #tpu.memory_space<vmem_shared>> -> memref<80x128xf32, #tpu.memory_space<vmem_shared>>
      %dma_start3A_94 = arith.constant 0 : i32
      %dma_start3A_95 = tpu.memref_slice %arg9[%add3A_55, %dma_start3A_94] : memref<10240x128xf32, #tpu.memory_space<vmem_shared>> -> memref<80x128xf32, #tpu.memory_space<vmem_shared>>
      %dma_start3A_96 = arith.constant 0 : i32
      %dma_start3A_97 = arith.constant 0 : i32
      %dma_start3A_98 = tpu.memref_slice %arg8[%run_scoped3A_56, %dma_start3A_96, %dma_start3A_97] : memref<3x80x128xf32, #tpu.memory_space<vmem>> -> memref<1x80x128xf32, #tpu.memory_space<vmem>>
      %dma_start3A_99 = tpu.memref_squeeze %dma_start3A_98 : memref<1x80x128xf32, #tpu.memory_space<vmem>> -> memref<80x128xf32, #tpu.memory_space<vmem>>
      tpu.enqueue_dma source(%dma_start3A_99 : memref<80x128xf32, #tpu.memory_space<vmem>>) target(%dma_start3A_95 : memref<80x128xf32, #tpu.memory_space<vmem_shared>>) target_semaphore(%run_scoped3A_87 : memref<!tpu.dma_semaphore, #tpu.memory_space<semaphore_mem>>)
      %dma_wait3A_100 = arith.constant 0 : i32
      %dma_wait3A_101 = arith.constant 0 : i32
      %dma_wait3A_102 = tpu.memref_slice %arg8[%run_scoped3A_56, %dma_wait3A_100, %dma_wait3A_101] : memref<3x80x128xf32, #tpu.memory_space<vmem>> -> memref<1x80x128xf32, #tpu.memory_space<vmem>>
      %dma_wait3A_103 = tpu.memref_squeeze %dma_wait3A_102 : memref<1x80x128xf32, #tpu.memory_space<vmem>> -> memref<80x128xf32, #tpu.memory_space<vmem>>
      %dma_wait3A_104 = arith.constant 0 : i32
      %dma_wait3A_105 = tpu.memref_slice %arg9[%add3A_55, %dma_wait3A_104] : memref<10240x128xf32, #tpu.memory_space<vmem_shared>> -> memref<80x128xf32, #tpu.memory_space<vmem_shared>>
      %dma_wait3A_106 = arith.constant 0 : i32
      %dma_wait3A_107 = tpu.memref_slice %arg9[%add3A_55, %dma_wait3A_106] : memref<10240x128xf32, #tpu.memory_space<vmem_shared>> -> memref<80x128xf32, #tpu.memory_space<vmem_shared>>
      %dma_wait3A_108 = arith.constant 0 : i32
      %dma_wait3A_109 = arith.constant 0 : i32
      %dma_wait3A_110 = tpu.memref_slice %arg8[%run_scoped3A_56, %dma_wait3A_108, %dma_wait3A_109] : memref<3x80x128xf32, #tpu.memory_space<vmem>> -> memref<1x80x128xf32, #tpu.memory_space<vmem>>
      %dma_wait3A_111 = tpu.memref_squeeze %dma_wait3A_110 : memref<1x80x128xf32, #tpu.memory_space<vmem>> -> memref<80x128xf32, #tpu.memory_space<vmem>>
      tpu.wait_dma2 semaphore(%run_scoped3A_87 : memref<!tpu.dma_semaphore, #tpu.memory_space<semaphore_mem>>) src(%dma_wait3A_111 : memref<80x128xf32, #tpu.memory_space<vmem>>) dst(%dma_wait3A_107 : memref<80x128xf32, #tpu.memory_space<vmem_shared>>)
      tpu.yield
    }) : () -> ()
    %add3A_57 = arith.constant 400 : i32
    %add3A_58 = arith.addi %mul3A_41, %add3A_57 : i32
    %run_scoped3A_59 = arith.constant 2 : i32
    "tpu.region"() ({
      %run_scoped3A_87 = tpu.sem_alloc : memref<!tpu.dma_semaphore, #tpu.memory_space<semaphore_mem>>
      %dma_start3A_88 = arith.constant 0 : i32
      %dma_start3A_89 = arith.constant 0 : i32
      %dma_start3A_90 = tpu.memref_slice %arg8[%run_scoped3A_59, %dma_start3A_88, %dma_start3A_89] : memref<3x80x128xf32, #tpu.memory_space<vmem>> -> memref<1x80x128xf32, #tpu.memory_space<vmem>>
      %dma_start3A_91 = tpu.memref_squeeze %dma_start3A_90 : memref<1x80x128xf32, #tpu.memory_space<vmem>> -> memref<80x128xf32, #tpu.memory_space<vmem>>
      %dma_start3A_92 = arith.constant 0 : i32
      %dma_start3A_93 = tpu.memref_slice %arg9[%add3A_58, %dma_start3A_92] : memref<10240x128xf32, #tpu.memory_space<vmem_shared>> -> memref<80x128xf32, #tpu.memory_space<vmem_shared>>
      %dma_start3A_94 = arith.constant 0 : i32
      %dma_start3A_95 = tpu.memref_slice %arg9[%add3A_58, %dma_start3A_94] : memref<10240x128xf32, #tpu.memory_space<vmem_shared>> -> memref<80x128xf32, #tpu.memory_space<vmem_shared>>
      %dma_start3A_96 = arith.constant 0 : i32
      %dma_start3A_97 = arith.constant 0 : i32
      %dma_start3A_98 = tpu.memref_slice %arg8[%run_scoped3A_59, %dma_start3A_96, %dma_start3A_97] : memref<3x80x128xf32, #tpu.memory_space<vmem>> -> memref<1x80x128xf32, #tpu.memory_space<vmem>>
      %dma_start3A_99 = tpu.memref_squeeze %dma_start3A_98 : memref<1x80x128xf32, #tpu.memory_space<vmem>> -> memref<80x128xf32, #tpu.memory_space<vmem>>
      tpu.enqueue_dma source(%dma_start3A_99 : memref<80x128xf32, #tpu.memory_space<vmem>>) target(%dma_start3A_95 : memref<80x128xf32, #tpu.memory_space<vmem_shared>>) target_semaphore(%run_scoped3A_87 : memref<!tpu.dma_semaphore, #tpu.memory_space<semaphore_mem>>)
      %dma_wait3A_100 = arith.constant 0 : i32
      %dma_wait3A_101 = arith.constant 0 : i32
      %dma_wait3A_102 = tpu.memref_slice %arg8[%run_scoped3A_59, %dma_wait3A_100, %dma_wait3A_101] : memref<3x80x128xf32, #tpu.memory_space<vmem>> -> memref<1x80x128xf32, #tpu.memory_space<vmem>>
      %dma_wait3A_103 = tpu.memref_squeeze %dma_wait3A_102 : memref<1x80x128xf32, #tpu.memory_space<vmem>> -> memref<80x128xf32, #tpu.memory_space<vmem>>
      %dma_wait3A_104 = arith.constant 0 : i32
      %dma_wait3A_105 = tpu.memref_slice %arg9[%add3A_58, %dma_wait3A_104] : memref<10240x128xf32, #tpu.memory_space<vmem_shared>> -> memref<80x128xf32, #tpu.memory_space<vmem_shared>>
      %dma_wait3A_106 = arith.constant 0 : i32
      %dma_wait3A_107 = tpu.memref_slice %arg9[%add3A_58, %dma_wait3A_106] : memref<10240x128xf32, #tpu.memory_space<vmem_shared>> -> memref<80x128xf32, #tpu.memory_space<vmem_shared>>
      %dma_wait3A_108 = arith.constant 0 : i32
      %dma_wait3A_109 = arith.constant 0 : i32
      %dma_wait3A_110 = tpu.memref_slice %arg8[%run_scoped3A_59, %dma_wait3A_108, %dma_wait3A_109] : memref<3x80x128xf32, #tpu.memory_space<vmem>> -> memref<1x80x128xf32, #tpu.memory_space<vmem>>
      %dma_wait3A_111 = tpu.memref_squeeze %dma_wait3A_110 : memref<1x80x128xf32, #tpu.memory_space<vmem>> -> memref<80x128xf32, #tpu.memory_space<vmem>>
      tpu.wait_dma2 semaphore(%run_scoped3A_87 : memref<!tpu.dma_semaphore, #tpu.memory_space<semaphore_mem>>) src(%dma_wait3A_111 : memref<80x128xf32, #tpu.memory_space<vmem>>) dst(%dma_wait3A_107 : memref<80x128xf32, #tpu.memory_space<vmem_shared>>)
      tpu.yield
    }) : () -> ()
    %add3A_60 = arith.constant 480 : i32
    %add3A_61 = arith.addi %mul3A_41, %add3A_60 : i32
    %run_scoped3A_62 = arith.constant 2 : i32
    "tpu.region"() ({
      %run_scoped3A_87 = tpu.sem_alloc : memref<!tpu.dma_semaphore, #tpu.memory_space<semaphore_mem>>
      %dma_start3A_88 = arith.constant 0 : i32
      %dma_start3A_89 = arith.constant 0 : i32
      %dma_start3A_90 = tpu.memref_slice %arg8[%run_scoped3A_62, %dma_start3A_88, %dma_start3A_89] : memref<3x80x128xf32, #tpu.memory_space<vmem>> -> memref<1x80x128xf32, #tpu.memory_space<vmem>>
      %dma_start3A_91 = tpu.memref_squeeze %dma_start3A_90 : memref<1x80x128xf32, #tpu.memory_space<vmem>> -> memref<80x128xf32, #tpu.memory_space<vmem>>
      %dma_start3A_92 = arith.constant 0 : i32
      %dma_start3A_93 = tpu.memref_slice %arg9[%add3A_61, %dma_start3A_92] : memref<10240x128xf32, #tpu.memory_space<vmem_shared>> -> memref<80x128xf32, #tpu.memory_space<vmem_shared>>
      %dma_start3A_94 = arith.constant 0 : i32
      %dma_start3A_95 = tpu.memref_slice %arg9[%add3A_61, %dma_start3A_94] : memref<10240x128xf32, #tpu.memory_space<vmem_shared>> -> memref<80x128xf32, #tpu.memory_space<vmem_shared>>
      %dma_start3A_96 = arith.constant 0 : i32
      %dma_start3A_97 = arith.constant 0 : i32
      %dma_start3A_98 = tpu.memref_slice %arg8[%run_scoped3A_62, %dma_start3A_96, %dma_start3A_97] : memref<3x80x128xf32, #tpu.memory_space<vmem>> -> memref<1x80x128xf32, #tpu.memory_space<vmem>>
      %dma_start3A_99 = tpu.memref_squeeze %dma_start3A_98 : memref<1x80x128xf32, #tpu.memory_space<vmem>> -> memref<80x128xf32, #tpu.memory_space<vmem>>
      tpu.enqueue_dma source(%dma_start3A_99 : memref<80x128xf32, #tpu.memory_space<vmem>>) target(%dma_start3A_95 : memref<80x128xf32, #tpu.memory_space<vmem_shared>>) target_semaphore(%run_scoped3A_87 : memref<!tpu.dma_semaphore, #tpu.memory_space<semaphore_mem>>)
      %dma_wait3A_100 = arith.constant 0 : i32
      %dma_wait3A_101 = arith.constant 0 : i32
      %dma_wait3A_102 = tpu.memref_slice %arg8[%run_scoped3A_62, %dma_wait3A_100, %dma_wait3A_101] : memref<3x80x128xf32, #tpu.memory_space<vmem>> -> memref<1x80x128xf32, #tpu.memory_space<vmem>>
      %dma_wait3A_103 = tpu.memref_squeeze %dma_wait3A_102 : memref<1x80x128xf32, #tpu.memory_space<vmem>> -> memref<80x128xf32, #tpu.memory_space<vmem>>
      %dma_wait3A_104 = arith.constant 0 : i32
      %dma_wait3A_105 = tpu.memref_slice %arg9[%add3A_61, %dma_wait3A_104] : memref<10240x128xf32, #tpu.memory_space<vmem_shared>> -> memref<80x128xf32, #tpu.memory_space<vmem_shared>>
      %dma_wait3A_106 = arith.constant 0 : i32
      %dma_wait3A_107 = tpu.memref_slice %arg9[%add3A_61, %dma_wait3A_106] : memref<10240x128xf32, #tpu.memory_space<vmem_shared>> -> memref<80x128xf32, #tpu.memory_space<vmem_shared>>
      %dma_wait3A_108 = arith.constant 0 : i32
      %dma_wait3A_109 = arith.constant 0 : i32
      %dma_wait3A_110 = tpu.memref_slice %arg8[%run_scoped3A_62, %dma_wait3A_108, %dma_wait3A_109] : memref<3x80x128xf32, #tpu.memory_space<vmem>> -> memref<1x80x128xf32, #tpu.memory_space<vmem>>
      %dma_wait3A_111 = tpu.memref_squeeze %dma_wait3A_110 : memref<1x80x128xf32, #tpu.memory_space<vmem>> -> memref<80x128xf32, #tpu.memory_space<vmem>>
      tpu.wait_dma2 semaphore(%run_scoped3A_87 : memref<!tpu.dma_semaphore, #tpu.memory_space<semaphore_mem>>) src(%dma_wait3A_111 : memref<80x128xf32, #tpu.memory_space<vmem>>) dst(%dma_wait3A_107 : memref<80x128xf32, #tpu.memory_space<vmem_shared>>)
      tpu.yield
    }) : () -> ()
    %add3A_63 = arith.constant 560 : i32
    %add3A_64 = arith.addi %mul3A_41, %add3A_63 : i32
    %run_scoped3A_65 = arith.constant 2 : i32
    "tpu.region"() ({
      %run_scoped3A_87 = tpu.sem_alloc : memref<!tpu.dma_semaphore, #tpu.memory_space<semaphore_mem>>
      %dma_start3A_88 = arith.constant 0 : i32
      %dma_start3A_89 = arith.constant 0 : i32
      %dma_start3A_90 = tpu.memref_slice %arg8[%run_scoped3A_65, %dma_start3A_88, %dma_start3A_89] : memref<3x80x128xf32, #tpu.memory_space<vmem>> -> memref<1x80x128xf32, #tpu.memory_space<vmem>>
      %dma_start3A_91 = tpu.memref_squeeze %dma_start3A_90 : memref<1x80x128xf32, #tpu.memory_space<vmem>> -> memref<80x128xf32, #tpu.memory_space<vmem>>
      %dma_start3A_92 = arith.constant 0 : i32
      %dma_start3A_93 = tpu.memref_slice %arg9[%add3A_64, %dma_start3A_92] : memref<10240x128xf32, #tpu.memory_space<vmem_shared>> -> memref<80x128xf32, #tpu.memory_space<vmem_shared>>
      %dma_start3A_94 = arith.constant 0 : i32
      %dma_start3A_95 = tpu.memref_slice %arg9[%add3A_64, %dma_start3A_94] : memref<10240x128xf32, #tpu.memory_space<vmem_shared>> -> memref<80x128xf32, #tpu.memory_space<vmem_shared>>
      %dma_start3A_96 = arith.constant 0 : i32
      %dma_start3A_97 = arith.constant 0 : i32
      %dma_start3A_98 = tpu.memref_slice %arg8[%run_scoped3A_65, %dma_start3A_96, %dma_start3A_97] : memref<3x80x128xf32, #tpu.memory_space<vmem>> -> memref<1x80x128xf32, #tpu.memory_space<vmem>>
      %dma_start3A_99 = tpu.memref_squeeze %dma_start3A_98 : memref<1x80x128xf32, #tpu.memory_space<vmem>> -> memref<80x128xf32, #tpu.memory_space<vmem>>
      tpu.enqueue_dma source(%dma_start3A_99 : memref<80x128xf32, #tpu.memory_space<vmem>>) target(%dma_start3A_95 : memref<80x128xf32, #tpu.memory_space<vmem_shared>>) target_semaphore(%run_scoped3A_87 : memref<!tpu.dma_semaphore, #tpu.memory_space<semaphore_mem>>)
      %dma_wait3A_100 = arith.constant 0 : i32
      %dma_wait3A_101 = arith.constant 0 : i32
      %dma_wait3A_102 = tpu.memref_slice %arg8[%run_scoped3A_65, %dma_wait3A_100, %dma_wait3A_101] : memref<3x80x128xf32, #tpu.memory_space<vmem>> -> memref<1x80x128xf32, #tpu.memory_space<vmem>>
      %dma_wait3A_103 = tpu.memref_squeeze %dma_wait3A_102 : memref<1x80x128xf32, #tpu.memory_space<vmem>> -> memref<80x128xf32, #tpu.memory_space<vmem>>
      %dma_wait3A_104 = arith.constant 0 : i32
      %dma_wait3A_105 = tpu.memref_slice %arg9[%add3A_64, %dma_wait3A_104] : memref<10240x128xf32, #tpu.memory_space<vmem_shared>> -> memref<80x128xf32, #tpu.memory_space<vmem_shared>>
      %dma_wait3A_106 = arith.constant 0 : i32
      %dma_wait3A_107 = tpu.memref_slice %arg9[%add3A_64, %dma_wait3A_106] : memref<10240x128xf32, #tpu.memory_space<vmem_shared>> -> memref<80x128xf32, #tpu.memory_space<vmem_shared>>
      %dma_wait3A_108 = arith.constant 0 : i32
      %dma_wait3A_109 = arith.constant 0 : i32
      %dma_wait3A_110 = tpu.memref_slice %arg8[%run_scoped3A_65, %dma_wait3A_108, %dma_wait3A_109] : memref<3x80x128xf32, #tpu.memory_space<vmem>> -> memref<1x80x128xf32, #tpu.memory_space<vmem>>
      %dma_wait3A_111 = tpu.memref_squeeze %dma_wait3A_110 : memref<1x80x128xf32, #tpu.memory_space<vmem>> -> memref<80x128xf32, #tpu.memory_space<vmem>>
      tpu.wait_dma2 semaphore(%run_scoped3A_87 : memref<!tpu.dma_semaphore, #tpu.memory_space<semaphore_mem>>) src(%dma_wait3A_111 : memref<80x128xf32, #tpu.memory_space<vmem>>) dst(%dma_wait3A_107 : memref<80x128xf32, #tpu.memory_space<vmem_shared>>)
      tpu.yield
    }) : () -> ()
    %barrier3A = arith.constant 0 : index
    tpu.barrier barrier_id(%barrier3A)
    %scan3A_66 = arith.constant 0 : i32
    %scan3A_67 = arith.constant 125 : i32
    %scan3A_68 = arith.addi %scan3A_66, %scan3A_67 : i32
    %scan3A_69 = arith.constant 1 : i32
    scf.for %scan3A_87 = %scan3A_66 to %scan3A_68 step %scan3A_69  : i32 {
      %mul3A_88 = arith.constant 1 : i32
      %mul3A_89 = arith.muli %scan3A_87, %mul3A_88 : i32
      %add3A_90 = arith.constant 0 : i32
      %add3A_91 = arith.addi %add3A_90, %mul3A_89 : i32
      %jit3A = arith.constant 3 : i32
      %eq3A = arith.constant 0 : i32
      %eq3A_92 = arith.cmpi eq, %jit3A, %eq3A : i32
      %jit3A_93 = arith.constant 1 : i32
      %select_n3A = arith.select %eq3A_92, %jit3A_93, %jit3A : i32
      %rem3A = arith.remsi %add3A_91, %select_n3A : i32
      %ne3A = arith.constant 0 : i32
      %ne3A_94 = arith.cmpi ne, %rem3A, %ne3A : i32
      %lt3A = arith.constant 0 : i32
      %lt3A_95 = arith.cmpi slt, %rem3A, %lt3A : i32
      %lt3A_96 = arith.constant 0 : i32
      %lt3A_97 = arith.cmpi slt, %select_n3A, %lt3A_96 : i32
      %ne3A_98 = arith.xori %lt3A_95, %lt3A_97 : i1
      %and3A = arith.andi %ne3A_98, %ne3A_94 : i1
      %add3A_99 = arith.addi %rem3A, %select_n3A : i32
      %select_n3A_100 = arith.select %and3A, %add3A_99, %rem3A : i32
      %jit3A_101 = arith.constant 25 : i32
      %div3A = arith.divsi %add3A_91, %jit3A_101 : i32
      %sign3A = arith.constant 0 : i32
      %sign3A_102 = arith.cmpi sgt, %add3A_91, %sign3A : i32
      %sign3A_103 = arith.extui %sign3A_102 : i1 to i32
      %sign3A_104 = arith.constant 0 : i32
      %sign3A_105 = arith.cmpi slt, %add3A_91, %sign3A_104 : i32
      %sign3A_106 = arith.extui %sign3A_105 : i1 to i32
      %sign3A_107 = arith.subi %sign3A_103, %sign3A_106 : i32
      %sign3A_108 = arith.constant 0 : i32
      %sign3A_109 = arith.cmpi sgt, %jit3A_101, %sign3A_108 : i32
      %sign3A_110 = arith.extui %sign3A_109 : i1 to i32
      %sign3A_111 = arith.constant 0 : i32
      %sign3A_112 = arith.cmpi slt, %jit3A_101, %sign3A_111 : i32
      %sign3A_113 = arith.extui %sign3A_112 : i1 to i32
      %sign3A_114 = arith.subi %sign3A_110, %sign3A_113 : i32
      %ne3A_115 = arith.cmpi ne, %sign3A_107, %sign3A_114 : i32
      %rem3A_116 = arith.remsi %add3A_91, %jit3A_101 : i32
      %ne3A_117 = arith.constant 0 : i32
      %ne3A_118 = arith.cmpi ne, %rem3A_116, %ne3A_117 : i32
      %and3A_119 = arith.andi %ne3A_115, %ne3A_118 : i1
      %sub3A = arith.constant 1 : i32
      %sub3A_120 = arith.subi %div3A, %sub3A : i32
      %select_n3A_121 = arith.select %and3A_119, %sub3A_120, %div3A : i32
      %jit3A_122 = arith.constant 2 : i32
      %eq3A_123 = arith.constant 0 : i32
      %eq3A_124 = arith.cmpi eq, %jit3A_122, %eq3A_123 : i32
      %jit3A_125 = arith.constant 1 : i32
      %select_n3A_126 = arith.select %eq3A_124, %jit3A_125, %jit3A_122 : i32
      %rem3A_127 = arith.remsi %select_n3A_121, %select_n3A_126 : i32
      %ne3A_128 = arith.constant 0 : i32
      %ne3A_129 = arith.cmpi ne, %rem3A_127, %ne3A_128 : i32
      %lt3A_130 = arith.constant 0 : i32
      %lt3A_131 = arith.cmpi slt, %rem3A_127, %lt3A_130 : i32
      %lt3A_132 = arith.constant 0 : i32
      %lt3A_133 = arith.cmpi slt, %select_n3A_126, %lt3A_132 : i32
      %ne3A_134 = arith.xori %lt3A_131, %lt3A_133 : i1
      %and3A_135 = arith.andi %ne3A_134, %ne3A_129 : i1
      %add3A_136 = arith.addi %rem3A_127, %select_n3A_126 : i32
      %select_n3A_137 = arith.select %and3A_135, %add3A_136, %rem3A_127 : i32
      %jit3A_138 = arith.constant 25 : i32
      %eq3A_139 = arith.constant 0 : i32
      %eq3A_140 = arith.cmpi eq, %jit3A_138, %eq3A_139 : i32
      %jit3A_141 = arith.constant 1 : i32
      %select_n3A_142 = arith.select %eq3A_140, %jit3A_141, %jit3A_138 : i32
      %rem3A_143 = arith.remsi %add3A_91, %select_n3A_142 : i32
      %ne3A_144 = arith.constant 0 : i32
      %ne3A_145 = arith.cmpi ne, %rem3A_143, %ne3A_144 : i32
      %lt3A_146 = arith.constant 0 : i32
      %lt3A_147 = arith.cmpi slt, %rem3A_143, %lt3A_146 : i32
      %lt3A_148 = arith.constant 0 : i32
      %lt3A_149 = arith.cmpi slt, %select_n3A_142, %lt3A_148 : i32
      %ne3A_150 = arith.xori %lt3A_147, %lt3A_149 : i1
      %and3A_151 = arith.andi %ne3A_150, %ne3A_145 : i1
      %add3A_152 = arith.addi %rem3A_143, %select_n3A_142 : i32
      %select_n3A_153 = arith.select %and3A_151, %add3A_152, %rem3A_143 : i32
      %add3A_154 = arith.constant 2 : i32
      %add3A_155 = arith.addi %add3A_91, %add3A_154 : i32
      %jit3A_156 = arith.constant 25 : i32
      %div3A_157 = arith.divsi %add3A_155, %jit3A_156 : i32
      %sign3A_158 = arith.constant 0 : i32
      %sign3A_159 = arith.cmpi sgt, %add3A_155, %sign3A_158 : i32
      %sign3A_160 = arith.extui %sign3A_159 : i1 to i32
      %sign3A_161 = arith.constant 0 : i32
      %sign3A_162 = arith.cmpi slt, %add3A_155, %sign3A_161 : i32
      %sign3A_163 = arith.extui %sign3A_162 : i1 to i32
      %sign3A_164 = arith.subi %sign3A_160, %sign3A_163 : i32
      %sign3A_165 = arith.constant 0 : i32
      %sign3A_166 = arith.cmpi sgt, %jit3A_156, %sign3A_165 : i32
      %sign3A_167 = arith.extui %sign3A_166 : i1 to i32
      %sign3A_168 = arith.constant 0 : i32
      %sign3A_169 = arith.cmpi slt, %jit3A_156, %sign3A_168 : i32
      %sign3A_170 = arith.extui %sign3A_169 : i1 to i32
      %sign3A_171 = arith.subi %sign3A_167, %sign3A_170 : i32
      %ne3A_172 = arith.cmpi ne, %sign3A_164, %sign3A_171 : i32
      %rem3A_173 = arith.remsi %add3A_155, %jit3A_156 : i32
      %ne3A_174 = arith.constant 0 : i32
      %ne3A_175 = arith.cmpi ne, %rem3A_173, %ne3A_174 : i32
      %and3A_176 = arith.andi %ne3A_172, %ne3A_175 : i1
      %sub3A_177 = arith.constant 1 : i32
      %sub3A_178 = arith.subi %div3A_157, %sub3A_177 : i32
      %select_n3A_179 = arith.select %and3A_176, %sub3A_178, %div3A_157 : i32
      %jit3A_180 = arith.constant 2 : i32
      %eq3A_181 = arith.constant 0 : i32
      %eq3A_182 = arith.cmpi eq, %jit3A_180, %eq3A_181 : i32
      %jit3A_183 = arith.constant 1 : i32
      %select_n3A_184 = arith.select %eq3A_182, %jit3A_183, %jit3A_180 : i32
      %rem3A_185 = arith.remsi %select_n3A_179, %select_n3A_184 : i32
      %ne3A_186 = arith.constant 0 : i32
      %ne3A_187 = arith.cmpi ne, %rem3A_185, %ne3A_186 : i32
      %lt3A_188 = arith.constant 0 : i32
      %lt3A_189 = arith.cmpi slt, %rem3A_185, %lt3A_188 : i32
      %lt3A_190 = arith.constant 0 : i32
      %lt3A_191 = arith.cmpi slt, %select_n3A_184, %lt3A_190 : i32
      %ne3A_192 = arith.xori %lt3A_189, %lt3A_191 : i1
      %and3A_193 = arith.andi %ne3A_192, %ne3A_187 : i1
      %add3A_194 = arith.addi %rem3A_185, %select_n3A_184 : i32
      %select_n3A_195 = arith.select %and3A_193, %add3A_194, %rem3A_185 : i32
      %jit3A_196 = arith.constant 25 : i32
      %eq3A_197 = arith.constant 0 : i32
      %eq3A_198 = arith.cmpi eq, %jit3A_196, %eq3A_197 : i32
      %jit3A_199 = arith.constant 1 : i32
      %select_n3A_200 = arith.select %eq3A_198, %jit3A_199, %jit3A_196 : i32
      %rem3A_201 = arith.remsi %add3A_155, %select_n3A_200 : i32
      %ne3A_202 = arith.constant 0 : i32
      %ne3A_203 = arith.cmpi ne, %rem3A_201, %ne3A_202 : i32
      %lt3A_204 = arith.constant 0 : i32
      %lt3A_205 = arith.cmpi slt, %rem3A_201, %lt3A_204 : i32
      %lt3A_206 = arith.constant 0 : i32
      %lt3A_207 = arith.cmpi slt, %select_n3A_200, %lt3A_206 : i32
      %ne3A_208 = arith.xori %lt3A_205, %lt3A_207 : i1
      %and3A_209 = arith.andi %ne3A_208, %ne3A_203 : i1
      %add3A_210 = arith.addi %rem3A_201, %select_n3A_200 : i32
      %select_n3A_211 = arith.select %and3A_209, %add3A_210, %rem3A_201 : i32
      %dma_wait3A_212 = arith.constant 0 : i32
      %dma_wait3A_213 = arith.constant 0 : i32
      %dma_wait3A_214 = tpu.memref_slice %arg8[%select_n3A_100, %dma_wait3A_212, %dma_wait3A_213] : memref<3x80x128xf32, #tpu.memory_space<vmem>> -> memref<1x80x128xf32, #tpu.memory_space<vmem>>
      %dma_wait3A_215 = tpu.memref_squeeze %dma_wait3A_214 : memref<1x80x128xf32, #tpu.memory_space<vmem>> -> memref<80x128xf32, #tpu.memory_space<vmem>>
      %dma_wait3A_216 = arith.constant 0 : i32
      %dma_wait3A_217 = tpu.memref_slice %arg6[%select_n3A_137, %select_n3A_153, %dma_wait3A_216] : memref<2x25x80xi32, #tpu.memory_space<vmem>> -> memref<1x1x80xi32, #tpu.memory_space<vmem>>
      %dma_wait3A_218 = tpu.memref_squeeze %dma_wait3A_217 : memref<1x1x80xi32, #tpu.memory_space<vmem>> -> memref<80xi32, #tpu.memory_space<vmem>>
      %dma_wait3A_219 = arith.constant 0 : i32
      %dma_wait3A_220 = arith.constant 0 : i32
      %dma_wait3A_221 = tpu.memref_slice %arg2[%dma_wait3A_219, %dma_wait3A_220] : memref<10000x128xf32, #tpu.memory_space<hbm>> -> memref<10000x128xf32, #tpu.memory_space<hbm>>
      %dma_wait3A_222 = tpu.memref_slice %arg10[%select_n3A_100] : memref<3x!tpu.dma_semaphore, #tpu.memory_space<semaphore_mem>> -> memref<1x!tpu.dma_semaphore, #tpu.memory_space<semaphore_mem>>
      %dma_wait3A_223 = tpu.memref_squeeze %dma_wait3A_222 : memref<1x!tpu.dma_semaphore, #tpu.memory_space<semaphore_mem>> -> memref<!tpu.dma_semaphore, #tpu.memory_space<semaphore_mem>>
      tpu.wait_indirect_dma semaphore(%dma_wait3A_223 : memref<!tpu.dma_semaphore, #tpu.memory_space<semaphore_mem>>) src(%dma_wait3A_221 : memref<10000x128xf32, #tpu.memory_space<hbm>>) dst(%dma_wait3A_215 : memref<80x128xf32, #tpu.memory_space<vmem>>)
      %ge3A = arith.constant 1 : i32
      %ge3A_224 = arith.cmpi sge, %add3A_91, %ge3A : i32
      %convert_element_type3A = arith.extui %ge3A_224 : i1 to i32
      %cond3A = arith.constant 0 : i32
      %cond3A_225 = arith.cmpi ne, %convert_element_type3A, %cond3A : i32
      scf.if %cond3A_225 {
        %sub3A_254 = arith.constant 1 : i32
        %sub3A_255 = arith.subi %add3A_91, %sub3A_254 : i32
        %jit3A_256 = arith.constant 3 : i32
        %eq3A_257 = arith.constant 0 : i32
        %eq3A_258 = arith.cmpi eq, %jit3A_256, %eq3A_257 : i32
        %jit3A_259 = arith.constant 1 : i32
        %select_n3A_260 = arith.select %eq3A_258, %jit3A_259, %jit3A_256 : i32
        %rem3A_261 = arith.remsi %sub3A_255, %select_n3A_260 : i32
        %ne3A_262 = arith.constant 0 : i32
        %ne3A_263 = arith.cmpi ne, %rem3A_261, %ne3A_262 : i32
        %lt3A_264 = arith.constant 0 : i32
        %lt3A_265 = arith.cmpi slt, %rem3A_261, %lt3A_264 : i32
        %lt3A_266 = arith.constant 0 : i32
        %lt3A_267 = arith.cmpi slt, %select_n3A_260, %lt3A_266 : i32
        %ne3A_268 = arith.xori %lt3A_265, %lt3A_267 : i1
        %and3A_269 = arith.andi %ne3A_268, %ne3A_263 : i1
        %add3A_270 = arith.addi %rem3A_261, %select_n3A_260 : i32
        %select_n3A_271 = arith.select %and3A_269, %add3A_270, %rem3A_261 : i32
        %dma_wait3A_272 = arith.constant 0 : i32
        %dma_wait3A_273 = arith.constant 0 : i32
        %dma_wait3A_274 = arith.constant 0 : i32
        %dma_wait3A_275 = arith.constant 0 : i32
        %dma_wait3A_276 = arith.constant 0 : i32
        %dma_wait3A_277 = tpu.memref_slice %arg8[%select_n3A_271, %dma_wait3A_275, %dma_wait3A_276] : memref<3x80x128xf32, #tpu.memory_space<vmem>> -> memref<1x80x128xf32, #tpu.memory_space<vmem>>
        %dma_wait3A_278 = tpu.memref_squeeze %dma_wait3A_277 : memref<1x80x128xf32, #tpu.memory_space<vmem>> -> memref<80x128xf32, #tpu.memory_space<vmem>>
        %dma_wait3A_279 = arith.constant 0 : i32
        %dma_wait3A_280 = tpu.memref_slice %arg7[%dma_wait3A_272, %dma_wait3A_273, %dma_wait3A_279] : memref<2x25x80xi32, #tpu.memory_space<vmem>> -> memref<1x1x80xi32, #tpu.memory_space<vmem>>
        %dma_wait3A_281 = tpu.memref_squeeze %dma_wait3A_280 : memref<1x1x80xi32, #tpu.memory_space<vmem>> -> memref<80xi32, #tpu.memory_space<vmem>>
        %dma_wait3A_282 = arith.constant 0 : i32
        %dma_wait3A_283 = arith.constant 0 : i32
        %dma_wait3A_284 = tpu.memref_slice %arg9[%dma_wait3A_282, %dma_wait3A_283] : memref<10240x128xf32, #tpu.memory_space<vmem_shared>> -> memref<10240x128xf32, #tpu.memory_space<vmem_shared>>
        %dma_wait3A_285 = tpu.memref_slice %arg11[%dma_wait3A_274] : memref<3x!tpu.dma_semaphore, #tpu.memory_space<semaphore_mem>> -> memref<1x!tpu.dma_semaphore, #tpu.memory_space<semaphore_mem>>
        %dma_wait3A_286 = tpu.memref_squeeze %dma_wait3A_285 : memref<1x!tpu.dma_semaphore, #tpu.memory_space<semaphore_mem>> -> memref<!tpu.dma_semaphore, #tpu.memory_space<semaphore_mem>>
        tpu.wait_indirect_dma semaphore(%dma_wait3A_286 : memref<!tpu.dma_semaphore, #tpu.memory_space<semaphore_mem>>) src(%dma_wait3A_278 : memref<80x128xf32, #tpu.memory_space<vmem>>) dst(%dma_wait3A_284 : memref<10240x128xf32, #tpu.memory_space<vmem_shared>>)
      } else {
      }
      %dma_start3A_226 = arith.constant 0 : i32
      %dma_start3A_227 = arith.constant 0 : i32
      %dma_start3A_228 = arith.constant 0 : i32
      %dma_start3A_229 = tpu.memref_slice %arg8[%select_n3A_100, %dma_start3A_227, %dma_start3A_228] : memref<3x80x128xf32, #tpu.memory_space<vmem>> -> memref<1x80x128xf32, #tpu.memory_space<vmem>>
      %dma_start3A_230 = tpu.memref_squeeze %dma_start3A_229 : memref<1x80x128xf32, #tpu.memory_space<vmem>> -> memref<80x128xf32, #tpu.memory_space<vmem>>
      %dma_start3A_231 = arith.constant 0 : i32
      %dma_start3A_232 = tpu.memref_slice %arg7[%select_n3A_137, %select_n3A_153, %dma_start3A_231] : memref<2x25x80xi32, #tpu.memory_space<vmem>> -> memref<1x1x80xi32, #tpu.memory_space<vmem>>
      %dma_start3A_233 = tpu.memref_squeeze %dma_start3A_232 : memref<1x1x80xi32, #tpu.memory_space<vmem>> -> memref<80xi32, #tpu.memory_space<vmem>>
      %dma_start3A_234 = arith.constant 0 : i32
      %dma_start3A_235 = arith.constant 0 : i32
      %dma_start3A_236 = tpu.memref_slice %arg9[%dma_start3A_234, %dma_start3A_235] : memref<10240x128xf32, #tpu.memory_space<vmem_shared>> -> memref<10240x128xf32, #tpu.memory_space<vmem_shared>>
      %dma_start3A_237 = tpu.memref_slice %arg11[%dma_start3A_226] : memref<3x!tpu.dma_semaphore, #tpu.memory_space<semaphore_mem>> -> memref<1x!tpu.dma_semaphore, #tpu.memory_space<semaphore_mem>>
      %dma_start3A_238 = tpu.memref_squeeze %dma_start3A_237 : memref<1x!tpu.dma_semaphore, #tpu.memory_space<semaphore_mem>> -> memref<!tpu.dma_semaphore, #tpu.memory_space<semaphore_mem>>
      tpu.enqueue_indirect_dma source(%dma_start3A_230 : memref<80x128xf32, #tpu.memory_space<vmem>>) target(%dma_start3A_236 : memref<10240x128xf32, #tpu.memory_space<vmem_shared>>) offsets(%dma_start3A_233 : memref<80xi32, #tpu.memory_space<vmem>>) semaphore(%dma_start3A_238 : memref<!tpu.dma_semaphore, #tpu.memory_space<semaphore_mem>>) {add = true}
      %lt3A_239 = arith.constant 125 : i32
      %lt3A_240 = arith.cmpi slt, %add3A_155, %lt3A_239 : i32
      %convert_element_type3A_241 = arith.extui %lt3A_240 : i1 to i32
      %cond3A_242 = arith.constant 0 : i32
      %cond3A_243 = arith.cmpi ne, %convert_element_type3A_241, %cond3A_242 : i32
      scf.if %cond3A_243 {
        %eq3A_254 = arith.constant 0 : i32
        %eq3A_255 = arith.cmpi eq, %select_n3A_211, %eq3A_254 : i32
        %convert_element_type3A_256 = arith.extui %eq3A_255 : i1 to i32
        %cond3A_257 = arith.constant 0 : i32
        %cond3A_258 = arith.cmpi ne, %convert_element_type3A_256, %cond3A_257 : i32
        scf.if %cond3A_258 {
          %dma_wait3A_303 = arith.constant 0 : i32
          %dma_wait3A_304 = arith.constant 0 : i32
          %dma_wait3A_305 = arith.constant 0 : i32
          %dma_wait3A_306 = arith.constant 0 : i32
          %dma_wait3A_307 = arith.constant 0 : i32
          %dma_wait3A_308 = tpu.memref_slice %arg6[%dma_wait3A_304, %dma_wait3A_306, %dma_wait3A_307] : memref<2x25x80xi32, #tpu.memory_space<vmem>> -> memref<1x25x80xi32, #tpu.memory_space<vmem>>
          %dma_wait3A_309 = tpu.memref_squeeze %dma_wait3A_308 : memref<1x25x80xi32, #tpu.memory_space<vmem>> -> memref<25x80xi32, #tpu.memory_space<vmem>>
          %dma_wait3A_310 = arith.constant 0 : i32
          %dma_wait3A_311 = arith.constant 0 : i32
          %dma_wait3A_312 = tpu.memref_slice %arg3[%add3A, %dma_wait3A_303, %dma_wait3A_310, %dma_wait3A_311] : memref<32x5x25x80xi32, #tpu.memory_space<hbm>> -> memref<1x1x25x80xi32, #tpu.memory_space<hbm>>
          %dma_wait3A_313 = tpu.memref_squeeze %dma_wait3A_312 : memref<1x1x25x80xi32, #tpu.memory_space<hbm>> -> memref<25x80xi32, #tpu.memory_space<hbm>>
          %dma_wait3A_314 = tpu.memref_slice %arg12[%dma_wait3A_305] : memref<2x!tpu.dma_semaphore, #tpu.memory_space<semaphore_mem>> -> memref<1x!tpu.dma_semaphore, #tpu.memory_space<semaphore_mem>>
          %dma_wait3A_315 = tpu.memref_squeeze %dma_wait3A_314 : memref<1x!tpu.dma_semaphore, #tpu.memory_space<semaphore_mem>> -> memref<!tpu.dma_semaphore, #tpu.memory_space<semaphore_mem>>
          %dma_wait3A_316 = arith.constant 0 : i32
          %dma_wait3A_317 = arith.constant 0 : i32
          %dma_wait3A_318 = tpu.memref_slice %arg6[%dma_wait3A_304, %dma_wait3A_316, %dma_wait3A_317] : memref<2x25x80xi32, #tpu.memory_space<vmem>> -> memref<1x25x80xi32, #tpu.memory_space<vmem>>
          %dma_wait3A_319 = tpu.memref_squeeze %dma_wait3A_318 : memref<1x25x80xi32, #tpu.memory_space<vmem>> -> memref<25x80xi32, #tpu.memory_space<vmem>>
          %dma_wait3A_320 = arith.constant 0 : i32
          %dma_wait3A_321 = arith.constant 0 : i32
          %dma_wait3A_322 = tpu.memref_slice %arg3[%add3A, %dma_wait3A_303, %dma_wait3A_320, %dma_wait3A_321] : memref<32x5x25x80xi32, #tpu.memory_space<hbm>> -> memref<1x1x25x80xi32, #tpu.memory_space<hbm>>
          %dma_wait3A_323 = tpu.memref_squeeze %dma_wait3A_322 : memref<1x1x25x80xi32, #tpu.memory_space<hbm>> -> memref<25x80xi32, #tpu.memory_space<hbm>>
          tpu.wait_dma2 semaphore(%dma_wait3A_315 : memref<!tpu.dma_semaphore, #tpu.memory_space<semaphore_mem>>) src(%dma_wait3A_323 : memref<25x80xi32, #tpu.memory_space<hbm>>) dst(%dma_wait3A_319 : memref<25x80xi32, #tpu.memory_space<vmem>>)
          %dma_wait3A_324 = arith.constant 0 : i32
          %dma_wait3A_325 = arith.constant 0 : i32
          %dma_wait3A_326 = arith.constant 1 : i32
          %dma_wait3A_327 = arith.constant 0 : i32
          %dma_wait3A_328 = arith.constant 0 : i32
          %dma_wait3A_329 = tpu.memref_slice %arg7[%dma_wait3A_325, %dma_wait3A_327, %dma_wait3A_328] : memref<2x25x80xi32, #tpu.memory_space<vmem>> -> memref<1x25x80xi32, #tpu.memory_space<vmem>>
          %dma_wait3A_330 = tpu.memref_squeeze %dma_wait3A_329 : memref<1x25x80xi32, #tpu.memory_space<vmem>> -> memref<25x80xi32, #tpu.memory_space<vmem>>
          %dma_wait3A_331 = arith.constant 0 : i32
          %dma_wait3A_332 = arith.constant 0 : i32
          %dma_wait3A_333 = tpu.memref_slice %arg4[%add3A, %dma_wait3A_324, %dma_wait3A_331, %dma_wait3A_332] : memref<32x5x25x80xi32, #tpu.memory_space<hbm>> -> memref<1x1x25x80xi32, #tpu.memory_space<hbm>>
          %dma_wait3A_334 = tpu.memref_squeeze %dma_wait3A_333 : memref<1x1x25x80xi32, #tpu.memory_space<hbm>> -> memref<25x80xi32, #tpu.memory_space<hbm>>
          %dma_wait3A_335 = tpu.memref_slice %arg12[%dma_wait3A_326] : memref<2x!tpu.dma_semaphore, #tpu.memory_space<semaphore_mem>> -> memref<1x!tpu.dma_semaphore, #tpu.memory_space<semaphore_mem>>
          %dma_wait3A_336 = tpu.memref_squeeze %dma_wait3A_335 : memref<1x!tpu.dma_semaphore, #tpu.memory_space<semaphore_mem>> -> memref<!tpu.dma_semaphore, #tpu.memory_space<semaphore_mem>>
          %dma_wait3A_337 = arith.constant 0 : i32
          %dma_wait3A_338 = arith.constant 0 : i32
          %dma_wait3A_339 = tpu.memref_slice %arg7[%dma_wait3A_325, %dma_wait3A_337, %dma_wait3A_338] : memref<2x25x80xi32, #tpu.memory_space<vmem>> -> memref<1x25x80xi32, #tpu.memory_space<vmem>>
          %dma_wait3A_340 = tpu.memref_squeeze %dma_wait3A_339 : memref<1x25x80xi32, #tpu.memory_space<vmem>> -> memref<25x80xi32, #tpu.memory_space<vmem>>
          %dma_wait3A_341 = arith.constant 0 : i32
          %dma_wait3A_342 = arith.constant 0 : i32
          %dma_wait3A_343 = tpu.memref_slice %arg4[%add3A, %dma_wait3A_324, %dma_wait3A_341, %dma_wait3A_342] : memref<32x5x25x80xi32, #tpu.memory_space<hbm>> -> memref<1x1x25x80xi32, #tpu.memory_space<hbm>>
          %dma_wait3A_344 = tpu.memref_squeeze %dma_wait3A_343 : memref<1x1x25x80xi32, #tpu.memory_space<hbm>> -> memref<25x80xi32, #tpu.memory_space<hbm>>
          tpu.wait_dma2 semaphore(%dma_wait3A_336 : memref<!tpu.dma_semaphore, #tpu.memory_space<semaphore_mem>>) src(%dma_wait3A_344 : memref<25x80xi32, #tpu.memory_space<hbm>>) dst(%dma_wait3A_340 : memref<25x80xi32, #tpu.memory_space<vmem>>)
        } else {
        }
        %jit3A_259 = arith.constant 3 : i32
        %eq3A_260 = arith.constant 0 : i32
        %eq3A_261 = arith.cmpi eq, %jit3A_259, %eq3A_260 : i32
        %jit3A_262 = arith.constant 1 : i32
        %select_n3A_263 = arith.select %eq3A_261, %jit3A_262, %jit3A_259 : i32
        %rem3A_264 = arith.remsi %add3A_155, %select_n3A_263 : i32
        %ne3A_265 = arith.constant 0 : i32
        %ne3A_266 = arith.cmpi ne, %rem3A_264, %ne3A_265 : i32
        %lt3A_267 = arith.constant 0 : i32
        %lt3A_268 = arith.cmpi slt, %rem3A_264, %lt3A_267 : i32
        %lt3A_269 = arith.constant 0 : i32
        %lt3A_270 = arith.cmpi slt, %select_n3A_263, %lt3A_269 : i32
        %ne3A_271 = arith.xori %lt3A_268, %lt3A_270 : i1
        %and3A_272 = arith.andi %ne3A_271, %ne3A_266 : i1
        %add3A_273 = arith.addi %rem3A_264, %select_n3A_263 : i32
        %select_n3A_274 = arith.select %and3A_272, %add3A_273, %rem3A_264 : i32
        %jit3A_275 = arith.constant 3 : i32
        %eq3A_276 = arith.constant 0 : i32
        %eq3A_277 = arith.cmpi eq, %jit3A_275, %eq3A_276 : i32
        %jit3A_278 = arith.constant 1 : i32
        %select_n3A_279 = arith.select %eq3A_277, %jit3A_278, %jit3A_275 : i32
        %rem3A_280 = arith.remsi %add3A_155, %select_n3A_279 : i32
        %ne3A_281 = arith.constant 0 : i32
        %ne3A_282 = arith.cmpi ne, %rem3A_280, %ne3A_281 : i32
        %lt3A_283 = arith.constant 0 : i32
        %lt3A_284 = arith.cmpi slt, %rem3A_280, %lt3A_283 : i32
        %lt3A_285 = arith.constant 0 : i32
        %lt3A_286 = arith.cmpi slt, %select_n3A_279, %lt3A_285 : i32
        %ne3A_287 = arith.xori %lt3A_284, %lt3A_286 : i1
        %and3A_288 = arith.andi %ne3A_287, %ne3A_282 : i1
        %add3A_289 = arith.addi %rem3A_280, %select_n3A_279 : i32
        %select_n3A_290 = arith.select %and3A_288, %add3A_289, %rem3A_280 : i32
        %dma_start3A_291 = arith.constant 0 : i32
        %dma_start3A_292 = arith.constant 0 : i32
        %dma_start3A_293 = tpu.memref_slice %arg8[%select_n3A_274, %dma_start3A_291, %dma_start3A_292] : memref<3x80x128xf32, #tpu.memory_space<vmem>> -> memref<1x80x128xf32, #tpu.memory_space<vmem>>
        %dma_start3A_294 = tpu.memref_squeeze %dma_start3A_293 : memref<1x80x128xf32, #tpu.memory_space<vmem>> -> memref<80x128xf32, #tpu.memory_space<vmem>>
        %dma_start3A_295 = arith.constant 0 : i32
        %dma_start3A_296 = tpu.memref_slice %arg6[%select_n3A_195, %select_n3A_211, %dma_start3A_295] : memref<2x25x80xi32, #tpu.memory_space<vmem>> -> memref<1x1x80xi32, #tpu.memory_space<vmem>>
        %dma_start3A_297 = tpu.memref_squeeze %dma_start3A_296 : memref<1x1x80xi32, #tpu.memory_space<vmem>> -> memref<80xi32, #tpu.memory_space<vmem>>
        %dma_start3A_298 = arith.constant 0 : i32
        %dma_start3A_299 = arith.constant 0 : i32
        %dma_start3A_300 = tpu.memref_slice %arg2[%dma_start3A_298, %dma_start3A_299] : memref<10000x128xf32, #tpu.memory_space<hbm>> -> memref<10000x128xf32, #tpu.memory_space<hbm>>
        %dma_start3A_301 = tpu.memref_slice %arg10[%select_n3A_290] : memref<3x!tpu.dma_semaphore, #tpu.memory_space<semaphore_mem>> -> memref<1x!tpu.dma_semaphore, #tpu.memory_space<semaphore_mem>>
        %dma_start3A_302 = tpu.memref_squeeze %dma_start3A_301 : memref<1x!tpu.dma_semaphore, #tpu.memory_space<semaphore_mem>> -> memref<!tpu.dma_semaphore, #tpu.memory_space<semaphore_mem>>
        tpu.enqueue_indirect_dma source(%dma_start3A_300 : memref<10000x128xf32, #tpu.memory_space<hbm>>) target(%dma_start3A_294 : memref<80x128xf32, #tpu.memory_space<vmem>>) offsets(%dma_start3A_297 : memref<80xi32, #tpu.memory_space<vmem>>) semaphore(%dma_start3A_302 : memref<!tpu.dma_semaphore, #tpu.memory_space<semaphore_mem>>)
      } else {
      }
      %eq3A_244 = arith.constant 2 : i32
      %eq3A_245 = arith.cmpi eq, %select_n3A_211, %eq3A_244 : i32
      %add3A_246 = arith.constant 1 : i32
      %add3A_247 = arith.addi %select_n3A_179, %add3A_246 : i32
      %lt3A_248 = arith.constant 5 : i32
      %lt3A_249 = arith.cmpi slt, %add3A_247, %lt3A_248 : i32
      %and3A_250 = arith.andi %eq3A_245, %lt3A_249 : i1
      %convert_element_type3A_251 = arith.extui %and3A_250 : i1 to i32
      %cond3A_252 = arith.constant 0 : i32
      %cond3A_253 = arith.cmpi ne, %convert_element_type3A_251, %cond3A_252 : i32
      scf.if %cond3A_253 {
        %add3A_254 = arith.constant 1 : i32
        %add3A_255 = arith.addi %select_n3A_179, %add3A_254 : i32
        %add3A_256 = arith.constant 1 : i32
        %add3A_257 = arith.addi %select_n3A_179, %add3A_256 : i32
        %jit3A_258 = arith.constant 2 : i32
        %eq3A_259 = arith.constant 0 : i32
        %eq3A_260 = arith.cmpi eq, %jit3A_258, %eq3A_259 : i32
        %jit3A_261 = arith.constant 1 : i32
        %select_n3A_262 = arith.select %eq3A_260, %jit3A_261, %jit3A_258 : i32
        %rem3A_263 = arith.remsi %add3A_257, %select_n3A_262 : i32
        %ne3A_264 = arith.constant 0 : i32
        %ne3A_265 = arith.cmpi ne, %rem3A_263, %ne3A_264 : i32
        %lt3A_266 = arith.constant 0 : i32
        %lt3A_267 = arith.cmpi slt, %rem3A_263, %lt3A_266 : i32
        %lt3A_268 = arith.constant 0 : i32
        %lt3A_269 = arith.cmpi slt, %select_n3A_262, %lt3A_268 : i32
        %ne3A_270 = arith.xori %lt3A_267, %lt3A_269 : i1
        %and3A_271 = arith.andi %ne3A_270, %ne3A_265 : i1
        %add3A_272 = arith.addi %rem3A_263, %select_n3A_262 : i32
        %select_n3A_273 = arith.select %and3A_271, %add3A_272, %rem3A_263 : i32
        %dma_start3A_274 = arith.constant 0 : i32
        %dma_start3A_275 = arith.constant 0 : i32
        %dma_start3A_276 = arith.constant 0 : i32
        %dma_start3A_277 = tpu.memref_slice %arg6[%select_n3A_273, %dma_start3A_275, %dma_start3A_276] : memref<2x25x80xi32, #tpu.memory_space<vmem>> -> memref<1x25x80xi32, #tpu.memory_space<vmem>>
        %dma_start3A_278 = tpu.memref_squeeze %dma_start3A_277 : memref<1x25x80xi32, #tpu.memory_space<vmem>> -> memref<25x80xi32, #tpu.memory_space<vmem>>
        %dma_start3A_279 = arith.constant 0 : i32
        %dma_start3A_280 = arith.constant 0 : i32
        %dma_start3A_281 = tpu.memref_slice %arg3[%add3A, %add3A_255, %dma_start3A_279, %dma_start3A_280] : memref<32x5x25x80xi32, #tpu.memory_space<hbm>> -> memref<1x1x25x80xi32, #tpu.memory_space<hbm>>
        %dma_start3A_282 = tpu.memref_squeeze %dma_start3A_281 : memref<1x1x25x80xi32, #tpu.memory_space<hbm>> -> memref<25x80xi32, #tpu.memory_space<hbm>>
        %dma_start3A_283 = tpu.memref_slice %arg12[%dma_start3A_274] : memref<2x!tpu.dma_semaphore, #tpu.memory_space<semaphore_mem>> -> memref<1x!tpu.dma_semaphore, #tpu.memory_space<semaphore_mem>>
        %dma_start3A_284 = tpu.memref_squeeze %dma_start3A_283 : memref<1x!tpu.dma_semaphore, #tpu.memory_space<semaphore_mem>> -> memref<!tpu.dma_semaphore, #tpu.memory_space<semaphore_mem>>
        %dma_start3A_285 = arith.constant 0 : i32
        %dma_start3A_286 = arith.constant 0 : i32
        %dma_start3A_287 = tpu.memref_slice %arg6[%select_n3A_273, %dma_start3A_285, %dma_start3A_286] : memref<2x25x80xi32, #tpu.memory_space<vmem>> -> memref<1x25x80xi32, #tpu.memory_space<vmem>>
        %dma_start3A_288 = tpu.memref_squeeze %dma_start3A_287 : memref<1x25x80xi32, #tpu.memory_space<vmem>> -> memref<25x80xi32, #tpu.memory_space<vmem>>
        %dma_start3A_289 = arith.constant 0 : i32
        %dma_start3A_290 = arith.constant 0 : i32
        %dma_start3A_291 = tpu.memref_slice %arg3[%add3A, %add3A_255, %dma_start3A_289, %dma_start3A_290] : memref<32x5x25x80xi32, #tpu.memory_space<hbm>> -> memref<1x1x25x80xi32, #tpu.memory_space<hbm>>
        %dma_start3A_292 = tpu.memref_squeeze %dma_start3A_291 : memref<1x1x25x80xi32, #tpu.memory_space<hbm>> -> memref<25x80xi32, #tpu.memory_space<hbm>>
        tpu.enqueue_dma source(%dma_start3A_292 : memref<25x80xi32, #tpu.memory_space<hbm>>) target(%dma_start3A_288 : memref<25x80xi32, #tpu.memory_space<vmem>>) target_semaphore(%dma_start3A_284 : memref<!tpu.dma_semaphore, #tpu.memory_space<semaphore_mem>>)
        %add3A_293 = arith.constant 1 : i32
        %add3A_294 = arith.addi %select_n3A_179, %add3A_293 : i32
        %add3A_295 = arith.constant 1 : i32
        %add3A_296 = arith.addi %select_n3A_179, %add3A_295 : i32
        %jit3A_297 = arith.constant 2 : i32
        %eq3A_298 = arith.constant 0 : i32
        %eq3A_299 = arith.cmpi eq, %jit3A_297, %eq3A_298 : i32
        %jit3A_300 = arith.constant 1 : i32
        %select_n3A_301 = arith.select %eq3A_299, %jit3A_300, %jit3A_297 : i32
        %rem3A_302 = arith.remsi %add3A_296, %select_n3A_301 : i32
        %ne3A_303 = arith.constant 0 : i32
        %ne3A_304 = arith.cmpi ne, %rem3A_302, %ne3A_303 : i32
        %lt3A_305 = arith.constant 0 : i32
        %lt3A_306 = arith.cmpi slt, %rem3A_302, %lt3A_305 : i32
        %lt3A_307 = arith.constant 0 : i32
        %lt3A_308 = arith.cmpi slt, %select_n3A_301, %lt3A_307 : i32
        %ne3A_309 = arith.xori %lt3A_306, %lt3A_308 : i1
        %and3A_310 = arith.andi %ne3A_309, %ne3A_304 : i1
        %add3A_311 = arith.addi %rem3A_302, %select_n3A_301 : i32
        %select_n3A_312 = arith.select %and3A_310, %add3A_311, %rem3A_302 : i32
        %dma_start3A_313 = arith.constant 1 : i32
        %dma_start3A_314 = arith.constant 0 : i32
        %dma_start3A_315 = arith.constant 0 : i32
        %dma_start3A_316 = tpu.memref_slice %arg7[%select_n3A_312, %dma_start3A_314, %dma_start3A_315] : memref<2x25x80xi32, #tpu.memory_space<vmem>> -> memref<1x25x80xi32, #tpu.memory_space<vmem>>
        %dma_start3A_317 = tpu.memref_squeeze %dma_start3A_316 : memref<1x25x80xi32, #tpu.memory_space<vmem>> -> memref<25x80xi32, #tpu.memory_space<vmem>>
        %dma_start3A_318 = arith.constant 0 : i32
        %dma_start3A_319 = arith.constant 0 : i32
        %dma_start3A_320 = tpu.memref_slice %arg4[%add3A, %add3A_294, %dma_start3A_318, %dma_start3A_319] : memref<32x5x25x80xi32, #tpu.memory_space<hbm>> -> memref<1x1x25x80xi32, #tpu.memory_space<hbm>>
        %dma_start3A_321 = tpu.memref_squeeze %dma_start3A_320 : memref<1x1x25x80xi32, #tpu.memory_space<hbm>> -> memref<25x80xi32, #tpu.memory_space<hbm>>
        %dma_start3A_322 = tpu.memref_slice %arg12[%dma_start3A_313] : memref<2x!tpu.dma_semaphore, #tpu.memory_space<semaphore_mem>> -> memref<1x!tpu.dma_semaphore, #tpu.memory_space<semaphore_mem>>
        %dma_start3A_323 = tpu.memref_squeeze %dma_start3A_322 : memref<1x!tpu.dma_semaphore, #tpu.memory_space<semaphore_mem>> -> memref<!tpu.dma_semaphore, #tpu.memory_space<semaphore_mem>>
        %dma_start3A_324 = arith.constant 0 : i32
        %dma_start3A_325 = arith.constant 0 : i32
        %dma_start3A_326 = tpu.memref_slice %arg7[%select_n3A_312, %dma_start3A_324, %dma_start3A_325] : memref<2x25x80xi32, #tpu.memory_space<vmem>> -> memref<1x25x80xi32, #tpu.memory_space<vmem>>
        %dma_start3A_327 = tpu.memref_squeeze %dma_start3A_326 : memref<1x25x80xi32, #tpu.memory_space<vmem>> -> memref<25x80xi32, #tpu.memory_space<vmem>>
        %dma_start3A_328 = arith.constant 0 : i32
        %dma_start3A_329 = arith.constant 0 : i32
        %dma_start3A_330 = tpu.memref_slice %arg4[%add3A, %add3A_294, %dma_start3A_328, %dma_start3A_329] : memref<32x5x25x80xi32, #tpu.memory_space<hbm>> -> memref<1x1x25x80xi32, #tpu.memory_space<hbm>>
        %dma_start3A_331 = tpu.memref_squeeze %dma_start3A_330 : memref<1x1x25x80xi32, #tpu.memory_space<hbm>> -> memref<25x80xi32, #tpu.memory_space<hbm>>
        tpu.enqueue_dma source(%dma_start3A_331 : memref<25x80xi32, #tpu.memory_space<hbm>>) target(%dma_start3A_327 : memref<25x80xi32, #tpu.memory_space<vmem>>) target_semaphore(%dma_start3A_323 : memref<!tpu.dma_semaphore, #tpu.memory_space<semaphore_mem>>)
      } else {
      }
    }
    %scan3A_70 = arith.constant 125 : i32
    %dma_wait3A = arith.constant 1 : i32
    %dma_wait3A_71 = arith.constant 0 : i32
    %dma_wait3A_72 = arith.constant 0 : i32
    %dma_wait3A_73 = arith.constant 0 : i32
    %dma_wait3A_74 = arith.constant 0 : i32
    %dma_wait3A_75 = arith.constant 0 : i32
    %dma_wait3A_76 = tpu.memref_slice %arg8[%dma_wait3A, %dma_wait3A_74, %dma_wait3A_75] : memref<3x80x128xf32, #tpu.memory_space<vmem>> -> memref<1x80x128xf32, #tpu.memory_space<vmem>>
    %dma_wait3A_77 = tpu.memref_squeeze %dma_wait3A_76 : memref<1x80x128xf32, #tpu.memory_space<vmem>> -> memref<80x128xf32, #tpu.memory_space<vmem>>
    %dma_wait3A_78 = arith.constant 0 : i32
    %dma_wait3A_79 = tpu.memref_slice %arg7[%dma_wait3A_71, %dma_wait3A_72, %dma_wait3A_78] : memref<2x25x80xi32, #tpu.memory_space<vmem>> -> memref<1x1x80xi32, #tpu.memory_space<vmem>>
    %dma_wait3A_80 = tpu.memref_squeeze %dma_wait3A_79 : memref<1x1x80xi32, #tpu.memory_space<vmem>> -> memref<80xi32, #tpu.memory_space<vmem>>
    %dma_wait3A_81 = arith.constant 0 : i32
    %dma_wait3A_82 = arith.constant 0 : i32
    %dma_wait3A_83 = tpu.memref_slice %arg9[%dma_wait3A_81, %dma_wait3A_82] : memref<10240x128xf32, #tpu.memory_space<vmem_shared>> -> memref<10240x128xf32, #tpu.memory_space<vmem_shared>>
    %dma_wait3A_84 = tpu.memref_slice %arg11[%dma_wait3A_73] : memref<3x!tpu.dma_semaphore, #tpu.memory_space<semaphore_mem>> -> memref<1x!tpu.dma_semaphore, #tpu.memory_space<semaphore_mem>>
    %dma_wait3A_85 = tpu.memref_squeeze %dma_wait3A_84 : memref<1x!tpu.dma_semaphore, #tpu.memory_space<semaphore_mem>> -> memref<!tpu.dma_semaphore, #tpu.memory_space<semaphore_mem>>
    tpu.wait_indirect_dma semaphore(%dma_wait3A_85 : memref<!tpu.dma_semaphore, #tpu.memory_space<semaphore_mem>>) src(%dma_wait3A_77 : memref<80x128xf32, #tpu.memory_space<vmem>>) dst(%dma_wait3A_83 : memref<10240x128xf32, #tpu.memory_space<vmem_shared>>)
    %barrier3A_86 = arith.constant 0 : index
    tpu.barrier barrier_id(%barrier3A_86)
    "tpu.region"() ({
      %run_scoped3A_87 = tpu.sem_alloc : memref<!tpu.dma_semaphore, #tpu.memory_space<semaphore_mem>>
      %dma_start3A_88 = arith.constant 0 : i32
      %dma_start3A_89 = tpu.memref_slice %arg5[%arg0, %mul3A_41, %dma_start3A_88] : memref<2x10240x128xf32, #tpu.memory_space<hbm>> -> memref<1x640x128xf32, #tpu.memory_space<hbm>>
      %dma_start3A_90 = tpu.memref_squeeze %dma_start3A_89 : memref<1x640x128xf32, #tpu.memory_space<hbm>> -> memref<640x128xf32, #tpu.memory_space<hbm>>
      %dma_start3A_91 = arith.constant 0 : i32
      %dma_start3A_92 = tpu.memref_slice %arg9[%mul3A_41, %dma_start3A_91] : memref<10240x128xf32, #tpu.memory_space<vmem_shared>> -> memref<640x128xf32, #tpu.memory_space<vmem_shared>>
      tpu.enqueue_dma source(%dma_start3A_92 : memref<640x128xf32, #tpu.memory_space<vmem_shared>>) target(%dma_start3A_90 : memref<640x128xf32, #tpu.memory_space<hbm>>) target_semaphore(%run_scoped3A_87 : memref<!tpu.dma_semaphore, #tpu.memory_space<semaphore_mem>>)
      %dma_wait3A_93 = arith.constant 0 : i32
      %dma_wait3A_94 = tpu.memref_slice %arg5[%arg0, %mul3A_41, %dma_wait3A_93] : memref<2x10240x128xf32, #tpu.memory_space<hbm>> -> memref<1x640x128xf32, #tpu.memory_space<hbm>>
      %dma_wait3A_95 = tpu.memref_squeeze %dma_wait3A_94 : memref<1x640x128xf32, #tpu.memory_space<hbm>> -> memref<640x128xf32, #tpu.memory_space<hbm>>
      %dma_wait3A_96 = arith.constant 0 : i32
      %dma_wait3A_97 = tpu.memref_slice %arg9[%mul3A_41, %dma_wait3A_96] : memref<10240x128xf32, #tpu.memory_space<vmem_shared>> -> memref<640x128xf32, #tpu.memory_space<vmem_shared>>
      tpu.wait_dma2 semaphore(%run_scoped3A_87 : memref<!tpu.dma_semaphore, #tpu.memory_space<semaphore_mem>>) src(%dma_wait3A_97 : memref<640x128xf32, #tpu.memory_space<vmem_shared>>) dst(%dma_wait3A_95 : memref<640x128xf32, #tpu.memory_space<hbm>>)
      tpu.yield
    }) : () -> ()
    return
  }
}

module attributes {stable_mosaic.version = 14 : i64} {
  func.func @_combine_body(%arg0: memref<2x10240x128xf32, #tpu.memory_space<vmem>>, %arg1: memref<10000x128xf32, #tpu.memory_space<vmem>>) attributes {dimension_semantics = [], scalar_prefetch = 0 : i64, scratch_operands = 0 : i64, tpu.core_type = #tpu.core_type<tc>} {
    %get3A = arith.constant 0 : index
    %get3A_0 = arith.constant 0 : index
    %get3A_1 = arith.constant 0 : index
    %get3A_2 = vector.load %arg0[%get3A, %get3A_0, %get3A_1] : memref<2x10240x128xf32, #tpu.memory_space<vmem>>, vector<1x10000x128xf32>
    %get3A_3 = vector.shape_cast %get3A_2 : vector<1x10000x128xf32> to vector<10000x128xf32>
    %get3A_4 = arith.constant 1 : index
    %get3A_5 = arith.constant 0 : index
    %get3A_6 = arith.constant 0 : index
    %get3A_7 = vector.load %arg0[%get3A_4, %get3A_5, %get3A_6] : memref<2x10240x128xf32, #tpu.memory_space<vmem>>, vector<1x10000x128xf32>
    %get3A_8 = vector.shape_cast %get3A_7 : vector<1x10000x128xf32> to vector<10000x128xf32>
    %add3A = arith.addf %get3A_3, %get3A_8 : vector<10000x128xf32>
    %swap3A = arith.constant 0 : index
    %swap3A_9 = arith.constant 0 : index
    %swap3A_10 = vector.load %arg1[%swap3A, %swap3A_9] : memref<10000x128xf32, #tpu.memory_space<vmem>>, vector<10000x128xf32>
    tpu.vector_store %arg1[%swap3A, %swap3A_9], %add3A {strides = array<i32>} : memref<10000x128xf32, #tpu.memory_space<vmem>>, vector<10000x128xf32>,
    return
  }
}

</mosaic_0001>

<sc_bundles>
// kernel: kernel.4.cloned.1.call-start
scs
__scs_entry_jumppad:
0x0: {  	(pc) =	sbr.rel $0x88, $3  }
0x1: {  	(tag) =	ssettag $0x0;
	lr =	simm.s32 $0x1  }
0x2: {  	[smem:$0x3F9E] =	sst lr;
	_ =	strace $0xD0000000  }
0x3: {  	_ = 	snop  }
0x4: {  	_ = 	snop  }
0x5: {  	_ = 	snop  }
0x6: {  	_ = 	snop  }
0x7: {  	_ = 	snop  }
__scs_overlays_trampoline_lowered:
0x8: {  	[smem:$0x3FAD] =	sst s0  }
0x9: {  	[smem:$0x3FAE] =	sst s1  }
0xa: {  	[smem:$0x3FAF] =	sst s2  }
0xb: {  	[smem:$0x3FB0] =	sst s3  }
0xc: {  	[smem:$0x3FB1] =	sst s4  }
0xd: {  	[smem:$0x3FB2] =	sst s5  }
0xe: {  	[smem:$0x3FB3] =	sst s6  }
0xf: {  	[smem:$0x3FB4] =	sst s7  }
0x10: {  	[smem:$0x3FB5] =	sst s8  }
0x11: {  	[smem:$0x3FB6] =	sst s9;
	s0 =	simm.s32 @!p0 $0x0  }
0x12: {  	s1 =	sld [smem:$0x3F9C];
	s0 =	simm.s32 @p0 $0x1  }
0x13: {  	[smem:$0x3FB7] =	sst s0;
	s0 =	simm.s32 @!p1 $0x0  }
0x14: {  	s2 =	sld [smem:$0x3F9B];
	s0 =	simm.s32 @p1 $0x1  }
0x15: {  	[smem:$0x3FB8] =	sst s0;
	s0 =	simm.s32 @!p2 $0x0  }
0x16: {  	s3 =	sld [smem:$0x3FDB];
	s0 =	simm.s32 @p2 $0x1  }
0x17: {  	s4 =	simm.s32 $0x1BF5;
	[smem:$0x3FBA] =	sst s0  }
0x18: {  	s0 =	sld [smem:$0x3F9D];
	_ =	swait.ge [sflag:s4], $0x0  }
0x19: {  	s7 =	sld [smem:$0x3F9E]  }
0x1a: {  	s8 =	sadd.s32 $0xFFFFE003, lr  }
0x1b: {  	s9 =	sadd.s32 $0xFFFFFEF7, lr;
	s5 =	simm.s32 $0xFFFFFFFF;
	p2 =	slt.u32 s8, $0xFFFFF086  }
0x1c: {  	p1 =	slt.u32 s9, $0xF7A;
	s5 =	simm.s32 @!p2 $0x0  }
0x1d: {  	s5 =	simm.s32 @p1 $0x1;
	p0 =	seq.s32 s7, s2  }
0x1e: {  	s7 =	smul.u32 @!p0 $0xF7A, s2;
	p2 =	seq.s32 @!p0 s5, $0x0  }
0x1f: {  	s9 =	smul.u32 $0xF7A, s1;
	s8 =	simm.s32 @!p0 $0x1BF5;
	p2 =	por !p2, p0  }
0x20: {  	[sflag:s8] =	ssyncset.s32 @!p0 $0xFFFFF086;
	s6 =	sadd.s32 @!p0 s3, s7;
	s7 =	simm.s32 @!p0 $0x108  }
0x21: {  	s3 =	sadd.s32 s3, s9;
	s6 =	sadd.s32 @!p0 $0x88, s6;
	s7 =	simm.s32 @p2 $0x1082  }
0x22: {  	[simem:s7], [sflag:s8] =	dma.local @!p0 [hbm:s6], $0xF7A  }
0x23: {  	s9 =	sor.u32 $0xD0000000, s2;
	s6 =	simm.s32 $0x108;
	_ =	swait.ge @!p0 [sflag:s8], $0x0  }
0x24: {  	s3 =	sadd.s32 $0x88, s3;
	s6 =	simm.s32 @!p1 $0x1082;
	[sflag:s4] =	ssyncset.s32 $0xFFFFF086  }
0x25: {  	[simem:s6], [sflag:s4] =	dma.local [hbm:s3], $0xF7A  }
0x26: {  	[smem:$0x3F9E] =	sst s1;
	(tag) =	ssettag s2;
	_ =	strace s9  }
0x27: {  	s1 =	sld [smem:$0x3FAE]  }
0x28: {  	s2 =	sld [smem:$0x3FAF]  }
0x29: {  	s4 =	sld [smem:$0x3FB1]  }
0x2a: {  	p0 =	seq.s32 s5, $0x0;
	s5 =	sld [smem:$0x3FB2]  }
0x2b: {  	s6 =	sld [smem:$0x3FB3]  }
0x2c: {  	s7 =	sld [smem:$0x3FB4]  }
0x2d: {  	s3 =	simm.s32 $0x108;
	s8 =	sld [smem:$0x3FB5]  }
0x2e: {  	s3 =	simm.s32 @!p0 $0x1082;
	s9 =	sld [smem:$0x3FB6]  }
0x2f: {  	lr =	sadd.s32 s0, s3;
	s0 =	sld [smem:$0x3FAD]  }
0x30: {  	s3 =	sld [smem:$0x3FB0]  }
0x31: {  	[smem:$0x3FB9] =	sst s10  }
0x32: {  	s10 =	sld [smem:$0x3FB7];
	_ =	sdelay $0x3  }
0x33: {  	p0 =	seq.s32 s10, $0x1;
	s10 =	sld [smem:$0x3FB9];
	_ =	sdelay $0x3  }
0x34: {  	[smem:$0x3FB9] =	sst s10  }
0x35: {  	s10 =	sld [smem:$0x3FB8];
	_ =	sdelay $0x3  }
0x36: {  	p1 =	seq.s32 s10, $0x1;
	s10 =	sld [smem:$0x3FB9];
	_ =	sdelay $0x3  }
0x37: {  	[smem:$0x3FB9] =	sst s10  }
0x38: {  	s10 =	sld [smem:$0x3FBA]  }
0x39: {  	_ = 	snop;
	(pc) =	sbr.ind lr, $3  }
0x3a: {  	_ = 	snop  }
0x3b: {  	_ = 	snop  }
0x3c: {  	p2 =	seq.s32 s10, $0x1;
	s10 =	sld [smem:$0x3FB9]  }
0x3d: {  	_ =	shalt  }
0x3e: {  	_ =	shalt  }
0x3f: {  	_ =	shalt  }
0x40: {  	_ =	shalt  }
0x41: {  	_ =	shalt  }
0x42: {  	_ =	shalt  }
0x43: {  	_ =	shalt  }
0x44: {  	_ =	shalt  }
0x45: {  	_ =	shalt  }
0x46: {  	_ =	shalt  }
0x47: {  	_ =	shalt  }
0x48: {  	_ =	shalt  }
0x49: {  	_ =	shalt  }
0x4a: {  	_ =	shalt  }
0x4b: {  	_ =	shalt  }
0x4c: {  	_ =	shalt  }
0x4d: {  	_ =	shalt  }
0x4e: {  	_ =	shalt  }
0x4f: {  	_ =	shalt  }
0x50: {  	_ =	shalt  }
0x51: {  	_ =	shalt  }
0x52: {  	_ =	shalt  }
0x53: {  	_ =	shalt  }
0x54: {  	_ =	shalt  }
0x55: {  	_ =	shalt  }
0x56: {  	_ =	shalt  }
0x57: {  	_ =	shalt  }
0x58: {  	_ =	shalt  }
0x59: {  	_ =	shalt  }
0x5a: {  	_ =	shalt  }
0x5b: {  	_ =	shalt  }
0x5c: {  	_ =	shalt  }
0x5d: {  	_ =	shalt  }
0x5e: {  	_ =	shalt  }
0x5f: {  	_ =	shalt  }
0x60: {  	_ =	shalt  }
0x61: {  	_ =	shalt  }
0x62: {  	_ =	shalt  }
0x63: {  	_ =	shalt  }
0x64: {  	_ =	shalt  }
0x65: {  	_ =	shalt  }
0x66: {  	_ =	shalt  }
0x67: {  	_ =	shalt  }
0x68: {  	_ =	shalt  }
0x69: {  	_ =	shalt  }
0x6a: {  	_ =	shalt  }
0x6b: {  	_ =	shalt  }
0x6c: {  	_ =	shalt  }
0x6d: {  	_ =	shalt  }
0x6e: {  	_ =	shalt  }
0x6f: {  	_ =	shalt  }
0x70: {  	_ =	shalt  }
0x71: {  	_ =	shalt  }
0x72: {  	_ =	shalt  }
0x73: {  	_ =	shalt  }
0x74: {  	_ =	shalt  }
0x75: {  	_ =	shalt  }
0x76: {  	_ =	shalt  }
0x77: {  	_ =	shalt  }
0x78: {  	_ =	shalt  }
0x79: {  	_ =	shalt  }
0x7a: {  	_ =	shalt  }
0x7b: {  	_ =	shalt  }
0x7c: {  	_ =	shalt  }
0x7d: {  	_ =	shalt  }
0x7e: {  	_ =	shalt  }
0x7f: {  	_ =	shalt  }
0x80: {  	_ =	shalt  }
0x81: {  	_ =	shalt  }
0x82: {  	_ =	shalt  }
0x83: {  	_ =	shalt  }
0x84: {  	_ =	shalt  }
0x85: {  	_ =	shalt  }
0x86: {  	_ =	shalt  }
0x87: {  	_ =	shalt  }
.Lfunc_end0:
.L_simem_size_0:
called_computation_lowered:
.L_overlay_start_0:
0x88: {  	s2 =	sld [smem:$0x3FD9]  }
0x89: {  	s3 =	sld [smem:$0x3FFE];
	_ =	sdelay $0x1  }
0x8a: {  	s1 =	srdreg.scid  }
0x8b: {  	s0 =	sand.u32 $0x1, s1  }
0x8c: {  	s17 =	sshll.u32 s0, $0xA;
	s2 =	sadd.s32 s3, s2  }
0x8d: {  	s2 =	sadd.s32 s2, s17  }
0x8e: {  	[smem:$0x3FC5] =	sst s2  }
0x8f: {  	_ = 	snop  }
0x90: {  	s2 =	sld [smem:$0x3FC9]  }
0x91: {  	s18 =	sld [smem:$0x3FD0];
	(tm) =	ssettm $0x1  }
0x92: {  	s4 =	sld [smem:$0x3FFB];
	_ =	sdelay $0x3  }
0x93: {  	_ =	strace s4  }
0x94: {  	s4 =	sld [smem:$0x3FFC];
	_ =	sdelay $0x3  }
0x95: {  	_ =	strace s4  }
0x96: {  	s4 =	sld [smem:$0x3FFD];
	_ =	sdelay $0x3  }
0x97: {  	_ =	strace s4  }
0x98: {  	_ =	strace $0x8FFFFFFF  }
0x99: {  	s19 =	sld [smem:$0x3FDB];
	_ =	sdelay $0x1  }
0x9a: {  	s5 =	simm.s32 $_scs_section_size  }
0x9b: {  	s6 =	simm.s32 $_size__tile_overlayer_lowered;
	s7 =	simm.s32 $_tile_overlayer_lowered  }
0x9c: {  	s22 =	simm.s32 $0x1BFF;
	s21 =	sshll.u32 s7, $0x1;
	s4 =	sadd.s32 s5, s19  }
0x9d: {  	s8 =	simm.s32 $0x0;
	s20 =	sshll.u32 s6, $0x1;
	s6 =	sadd.s32 s21, s4  }
0x9e: {  	[timem:s8], [sflag:s22] =	dma.local [hbm:s6], s20  }
0x9f: {  	_ =	swait.ge [sflag:s22], s20  }
0xa0: {  	s5 =	ssub.s32 $0x0, s20;
	[sflag:s22] =	ssyncset.done $0x0  }
0xa1: {  	[sflag:s22] =	ssyncadd.s32 s5;
	_ =	sdelay $0x1  }
0xa2: {  	s23 =	simm.s32 $0x1B8B  }
0xa3: {  	_ =	swait.ge [sflag:s23], $0x1  }
0xa4: {  	[sflag:s23] =	ssyncset.done $0x0  }
0xa5: {  	s25 =	simm.s32 $0x1B8E;
	s24 =	sld [smem:$0x3FFE];
	[sflag:s23] =	ssyncadd.s32 $0xFFFFFFFF  }
0xa6: {  	s26 =	simm.s32 $execute0_lowered;
	[smem:$0x3FD2] =	sst s25  }
0xa7: {  	s6 =	sshll.u32 s26, $0x1;
	_ =	strace $0x80000046;
	[dreg:$0x1] =	wrdreg $0xFFFFFFFF  }
0xa8: {  	s28 =	simm.s32 $_size_execute0_lowered;
	s4 =	sadd.s32 s4, s6;
	[dreg:$0x0] =	wrdreg $0x0  }
0xa9: {  	s6 =	sshll.u32 s28, $0x1;
	[dreg:$0x2] =	wrdreg s4  }
0xaa: {  	[dreg:$0x3] =	wrdreg s6  }
0xab: {  	[dreg:$0x4] =	wrdreg $0xC0  }
0xac: {  	_ =	task [dreg:s8], $0x5FFFF  }
0xad: {  	[dreg:$0x1] =	wrdreg $0xFFFFFFFF  }
0xae: {  	[dreg:$0x0] =	wrdreg $0x60  }
0xaf: {  	[dreg:$0x2] =	wrdreg s2  }
0xb0: {  	[dreg:$0x3] =	wrdreg s18  }
0xb1: {  	[dreg:$0x4] =	wrdreg s24  }
0xb2: {  	[dreg:$0x5] =	wrdreg $0xB8000  }
0xb3: {  	[dreg:$0x6] =	wrdreg $0x9  }
0xb4: {  	_ =	task.clear_ibuf [dreg:s8], $0x7FFFF;
	_ =	strace $0x90000046  }
0xb5: {  	s29 =	simm.s32 $0x9;
	_ =	strace $0x80000048  }
0xb6: {  	_ =	swait.ge [sflag:s29], $0x1  }
0xb7: {  	[sflag:s29] =	ssyncadd.s32 $0xFFFFFFFF  }
0xb8: {  	_ =	strace $0x90000048  }
0xb9: {  	_ =	sfence  }
0xba: {  	s30 =	sld [smem:$0x0];
	_ =	sdelay $0x2  }
0xbb: {  	s31 =	sshll.u32 s1, $0xD;
	s1 =	sshrl.u32 s1, $0x2  }
0xbc: {  	s3 =	sand.u32 $0x4000, s31;
	s1 =	sadd.s32 s1, s30  }
0xbd: {  	s0 =	sor.u32 s3, s0;
	s1 =	sshll.u32 s1, $0x11  }
0xbe: {  	s0 =	sor.u32 s1, s0  }
0xbf: {  	s0 =	sadd.s32 $0x8F2B, s0  }
0xc0: {  	[sflag:s0] =	ssyncadd.remote.s32 $0x1  }
0xc1: {  	_ =	sfence.sel $0xFFFF  }
0xc2: {  	[dreg:$0x0] =	wrdreg $0xFFFFFFFF;
	(pc) =	sbr.abs _section_cstart, $3  }
0xc3: {  	[dreg:$0x1] =	wrdreg $0xFFFFFFFF  }
0xc4: {  	_ =	task.clear_ibuf [dreg:s8], $0x2FFFF;
	_ =	strace $0x9FFFFFFF  }
0xc5: {  	(tm) =	ssettm $0x7FFFFFFF  }
tec
execute0_lowered:
.L_overlay_start_1:
0x0: {  	(tag) =	ssettag $0x1  }
0x1: {  	s1 =	rddreg [dreg:$0x0]  }
0x2: {  	s2 =	rddreg [dreg:$0x1]  }
0x3: {  	s0 =	rddreg [dreg:$0x2]  }
0x4: {  	s4 =	rddreg [dreg:$0x3]  }
0x5: {  	s3 =	srdreg.scid;
	s9 =	stileid.u32  }
0x6: {  	s5 =	simm.s32 $0x0;
	s20 =	simm.s32 $0x9;
	s22 =	simm.s32 $0x50  }
0x7: {  	s28 =	simm.s32 $0x4;
	s3 =	sand.u32 $0x1, s3;
	s7 =	smul.u32 $0x14000, s9  }
0x8: {  	s29 =	simm.s32 $0x0;
	s8 =	sshll.u32 s9, $0x1;
	s6 =	smul.u32 $0x140000, s3  }
0x9: {  	[smem:$0x7FF] =	sst s5;
	s9 =	smul.u32 $0x50000, s9;
	s8 =	sor.u32 s3, s8  }
0xa: {  	s3 =	ssub.s32 $0x2, s3;
	s7 =	sadd.s32 s7, s6;
	s6 =	smul.u32 $0x5000, s8  }
0xb: {  	_ =	strace $0x80000047;
	s25 =	sshrl.u32 s3, $0x1;
	s11 =	sshrl.u32 s9, $0x2  }
0xc: {  	s3 =	ssub.s32 s3, s25;
	s24 =	sshrl.u32 s7, $0x3;
	s10 =	sshrl.u32 s6, $0x3  }
0xd: {  	s7 =	sadd.s32 $0x800, s0;
	s19 =	smax.u32 s3, $0x1;
	s26 =	sadd.s32 s2, s10  }
0xe: {  	s0 =	sadd.s32 s24, s0;
	s30 =	sadd.s32 s7, s10;
	[dreg:$0x5] =	wrdreg s26  }
0xf: {  	s10 =	sadd.s32 s11, s4;
	s18 =	sadd.s32 $0x14800, s0;
	[dreg:$0x6] =	wrdreg s30  }
0x10: {  	s31 =	sadd.s32 $0x2800, s10;
	s12 =	sadd.s32 $0x5000, s10;
	s13 =	sadd.s32 $0x7800, s10  }
0x11: {  	s14 =	sadd.s32 $0xA000, s10;
	s15 =	sadd.s32 $0xC800, s10;
	s16 =	sadd.s32 $0xF000, s10  }
0x12: {  	v0 =	vimm.f32 $0.0e+00;
	s17 =	sadd.s32 $0x11800, s10;
	s26 =	simm.s32 $0x9000;
	[dreg:$0x7] =	wrdreg s31  }
.LBB2_1:
0x13: {  	s0 =	rddreg [dreg:$0x5]  }
0x14: {  	[tilespmem:s5], [sflag:$0x9] =	stream.linear.gather [hbm4b:s0+s5], $0xC80, $0x38;
	[tilespmem:$0x1F800] =	vst v63  }
0x15: {  	_ =	swait.ge [sflag:s20], $0xC80  }
0x16: {  	[sflag:s20] =	ssyncset.done $0x0  }
0x17: {  	s3 =	simm.s32 $0x2000;
	s21 =	rddreg [dreg:$0x6];
	[sflag:s20] =	ssyncadd.s32 $0xFFFFF380  }
0x18: {  	[tilespmem:s3], [sflag:$0x9] =	stream.linear.gather [hbm4b:s21+s5], $0xC80, $0x38;
	[tilespmem:$0x1F800] =	vst v63  }
0x19: {  	s23 =	simm.s32 $0x4000;
	s24 =	simm.s32 $0x80;
	_ =	swait.ge [sflag:s20], $0xC80  }
0x1a: {  	s25 =	simm.s32 $0x6800;
	s30 =	sand.u32 $0xFE00, s5;
	[sflag:s20] =	ssyncset.done $0x0  }
0x1b: {  	s31 =	sand.u32 $0x70, s5;
	s21 =	sshrl.u32 s30, $0x2;
	[sflag:s20] =	ssyncadd.s32 $0xFFFFF380  }
0x1c: {  	[tilespmem:s23], [sflag:$0x1] =	stream.indirect.gather [hbm4b:s1+s22], $0x80, s5, s22, $0xb8;
	[tilespmem:$0x1F800] =	vst v63  }
0x1d: {  	s0 =	simm.s32 $0x40;
	s3 =	simm.s32 $0x0;
	s21 =	sor.u32 s31, s21  }
0x1e: {  	[tilespmem:s25], [sflag:$0x2] =	stream.indirect.gather [hbm4b:s1+s22], $0x80, s24, s22, $0xb8;
	[tilespmem:$0x1F800] =	vst v63  }
.LBB2_2:
0x1f: {  	p0 =	sne.s32 s0, $0x9FC0  }
0x20: {  	[tilespmem:s21+$0x9000] =	vst v0;
	s3 =	sadd.s32 $0x10, s3;
	s21 =	smov.u32 s0;
	s0 =	sadd.s32 $0x40, s0  }
.Ltmp0:
0x21: {  	(pc) =	sbr.rel @p0 .LBB2_2-.Ltmp0, $4  }
0x22: {  	_ = 	snop  }
0x23: {  	s21 =	sand.u32 $0xFE00, s21  }
0x24: {  	s23 =	sand.u32 $0x70, s3;
	s21 =	sshrl.u32 s21, $0x2  }
0x25: {  	s21 =	sor.u32 s23, s21  }
0x26: {  	[tilespmem:s21+$0x9000] =	vst v0  }
0x27: {  	[spmem:s10] =	stream.linear.scatter [tilespmem:s26], [sflag:$0x9], $0x2800, $0x38;
	[tilespmem:$0x1F800] =	vst v63  }
0x28: {  	_ =	swait.ge [sflag:s20], $0x2800  }
0x29: {  	[sflag:s20] =	ssyncset.done $0x0  }
0x2a: {  	s0 =	rddreg [dreg:$0x7];
	[sflag:s20] =	ssyncadd.s32 $0xFFFFD800  }
0x2b: {  	[spmem:s0] =	stream.linear.scatter [tilespmem:s26], [sflag:$0x9], $0x2800, $0x38;
	[tilespmem:$0x1F800] =	vst v63  }
0x2c: {  	_ =	swait.ge [sflag:s20], $0x2800  }
0x2d: {  	[sflag:s20] =	ssyncset.done $0x0  }
0x2e: {  	[sflag:s20] =	ssyncadd.s32 $0xFFFFD800  }
0x2f: {  	[spmem:s12] =	stream.linear.scatter [tilespmem:s26], [sflag:$0x9], $0x2800, $0x38;
	[tilespmem:$0x1F800] =	vst v63  }
0x30: {  	s9 =	simm.s32 $0x0;
	_ =	swait.ge [sflag:s20], $0x2800  }
0x31: {  	s30 =	simm.s32 $0x1;
	s21 =	simm.s32 $0x2;
	[sflag:s20] =	ssyncset.done $0x0  }
0x32: {  	p1 =	por $0x1, $0x1;
	s23 =	sand.u32 $0xFF, s21;
	[sflag:s20] =	ssyncadd.s32 $0xFFFFD800  }
0x33: {  	[spmem:s13] =	stream.linear.scatter [tilespmem:s26], [sflag:$0x9], $0x2800, $0x38;
	[tilespmem:$0x1F800] =	vst v63  }
0x34: {  	p0 =	por $0x0, $0x0;
	s23 =	smul.u32 $0x29, s23;
	_ =	swait.ge [sflag:s20], $0x2800  }
0x35: {  	p3 =	por @!p0 $0x0, $0x0;
	s21 =	sand.u32 @!p0 $0xFF, s21;
	[sflag:s20] =	ssyncset.done $0x0  }
0x36: {  	s21 =	smul.u32 @!p0 $0xAB, s21;
	s23 =	sshrl.u32 s23, $0xA;
	[sflag:s20] =	ssyncadd.s32 $0xFFFFD800  }
0x37: {  	[spmem:s14] =	stream.linear.scatter [tilespmem:s26], [sflag:$0x9], $0x2800, $0x38;
	[tilespmem:$0x1F800] =	vst v63  }
0x38: {  	s0 =	sand.u32 $0xFF, s9;
	s8 =	smul.u32 $0x19, s23;
	_ =	swait.ge [sflag:s20], $0x2800  }
0x39: {  	s24 =	simm.s32 @!p1 $0x4;
	s3 =	smul.u32 $0x29, s0;
	[sflag:s20] =	ssyncset.done $0x0  }
0x3a: {  	p4 =	por p3, p0;
	s0 =	smul.u32 $0xAB, s0;
	[sflag:s20] =	ssyncadd.s32 $0xFFFFD800  }
0x3b: {  	[spmem:s15] =	stream.linear.scatter [tilespmem:s26], [sflag:$0x9], $0x2800, $0x38;
	[tilespmem:$0x1F800] =	vst v63  }
0x3c: {  	s23 =	sshll.u32 @!p0 s23, $0xC;
	s0 =	sshrl.u32 s0, $0x9;
	_ =	swait.ge [sflag:s20], $0x2800  }
0x3d: {  	s3 =	sshrl.u32 s3, $0xA;
	s0 =	smul.u32 $0x3, s0;
	[sflag:s20] =	ssyncset.done $0x0  }
0x3e: {  	s31 =	sshll.u32 s3, $0xC;
	s3 =	smul.u32 $0x19, s3;
	[sflag:s20] =	ssyncadd.s32 $0xFFFFD800  }
0x3f: {  	[spmem:s16] =	stream.linear.scatter [tilespmem:s26], [sflag:$0x9], $0x2800, $0x38;
	[tilespmem:$0x1F800] =	vst v63  }
0x40: {  	s8 =	ssub.s32 $0x2, s8;
	s31 =	sand.u32 $0x1000, s31;
	_ =	swait.ge [sflag:s20], $0x2800  }
0x41: {  	s0 =	ssub.s32 $0x0, s0;
	s3 =	ssub.s32 $0x0, s3;
	[sflag:s20] =	ssyncset.done $0x0  }
0x42: {  	s0 =	sand.u32 $0xFF, s0;
	s3 =	sand.u32 $0xFF, s3;
	[sflag:s20] =	ssyncadd.s32 $0xFFFFD800  }
0x43: {  	[spmem:s17] =	stream.linear.scatter [tilespmem:s26], [sflag:$0x9], $0x2800, $0x38;
	[tilespmem:$0x1F800] =	vst v63  }
0x44: {  	s25 =	smul.u32 $0xA000, s0;
	s0 =	sadd.s32 $0x1, s0;
	_ =	swait.ge [sflag:s20], $0x2800  }
0x45: {  	s11 =	sshll.u32 s3, $0x7;
	s3 =	sand.u32 @!p0 $0xFF, s8;
	[sflag:s20] =	ssyncset.done $0x0  }
0x46: {  	p2 =	sne.s32 @!p0 s3, $0x0;
	s3 =	sshrl.u32 @!p0 s21, $0x9;
	[sflag:s20] =	ssyncadd.s32 $0xFFFFD800  }
0x47: {  	s21 =	sand.u32 @!p0 $0x1000, s23;
	s25 =	sshrl.u32 s25, $0x2;
	[bflag:$0x0] =	sbarrier.arrive $0xFFFF  }
0x48: {  	p2 =	por p2, p0;
	s3 =	smul.u32 @!p0 $0x3, s3;
	_ =	swait.ge [sflag:s0], $0x2800  }
0x49: {  	s9 =	simm.s32 @!p2 $0x7;
	s25 =	sadd.s32 $0x4000, s25;
	[sflag:s0] =	ssyncset.done $0x0  }
0x4a: {  	s3 =	ssub.s32 @!p0 $0x2, s3;
	[sflag:s0] =	ssyncadd.s32 $0xFFFFD800;
	s0 =	sadd.s32 s11, s31  }
0x4b: {  	s31 =	sand.u32 $0xFF, s8;
	s8 =	sand.u32 @!p4 $0xFF, s8;
	_ =	swait.ge @!p1 [sflag:s24], $0x2800  }
0x4c: {  	s3 =	sand.u32 @!p0 $0xFF, s3;
	p4 =	sne.s32 @!p4 s8, $0x2;
	[sflag:s24] =	ssyncset.done @!p1 $0x0  }
0x4d: {  	s8 =	sshll.u32 @!p0 s31, $0x7;
	s0 =	sadd.s32 $0x2000, s0;
	[sflag:s24] =	ssyncadd.s32 @!p1 $0xFFFFD800  }
0x4e: {  	[spmem:s4] =	stream.indirect.scatter.add.f32 [tilespmem:s25], [sflag:$0x4], $0x80, s0, s22, $0xb8;
	[tilespmem:$0x1F800] =	vst v63  }
0x4f: {  	s31 =	simm.s32 @!p2 $0x8;
	p3 =	por @!p0 p4, p3;
	_ =	swait.ge @!p2 [sflag:s9], $0xC80  }
0x50: {  	s0 =	sadd.s32 @!p0 s8, s21;
	s8 =	smul.u32 @!p0 $0xA000, s3;
	[sflag:s9] =	ssyncset.done @!p2 $0x0  }
0x51: {  	p4 =	por p3, p0;
	s21 =	sadd.s32 @!p0 $0x1, s3;
	[sflag:s9] =	ssyncadd.s32 @!p2 $0xFFFFF380  }
0x52: {  	s23 =	sadd.s32 @!p4 $0x1000, s23;
	s3 =	sshrl.u32 @!p0 s8, $0x2;
	_ =	swait.ge @!p2 [sflag:s31], $0xC80  }
.LBB2_4:
0x53: {  	s8 =	simm.s32 @!p0 $0x50  }
0x54: {  	s9 =	sadd.s32 @!p4 s6, s23;
	s24 =	smov.u32 s30;
	s30 =	sadd.s32 $0x1, s30  }
0x55: {  	s25 =	simm.s32 @!p4 $0x0;
	[sflag:s31] =	ssyncset.done @!p2 $0x0;
	s9 =	sshrl.u32 @!p4 s9, $0x3  }
0x56: {  	s3 =	sadd.s32 @!p0 $0x4000, s3;
	s23 =	sand.u32 @!p4 $0x1000, s23;
	[sflag:s31] =	ssyncadd.s32 @!p2 $0xFFFFF380  }
0x57: {  	[tilespmem:s3], [sflag:s21] =	stream.indirect.gather @!p0 [hbm4b:s1+s8], $0x80, s0, s8, $0xb8;
	[tilespmem:$0x1F800] =	vst v63  }
0x58: {  	s0 =	sadd.s32 @!p4 s2, s9;
	s3 =	sor.u32 @!p4 $0x2000, s23;
	s8 =	sadd.s32 @!p4 s7, s9  }
0x59: {  	[tilespmem:s23], [sflag:$0x7] =	stream.linear.gather @!p4 [hbm4b:s0+s25], $0xC80, $0x38;
	[tilespmem:$0x1F800] =	vst v63  }
0x5a: {  	p1 =	sne.s32 s30, $0x7D;
	s0 =	sand.u32 $0xFF, s24  }
0x5b: {  	p3 =	seq.s32 s24, $0x0;
	s9 =	smul.u32 $0x29, s0  }
0x5c: {  	s31 =	sadd.s32 $0x2, s24;
	p0 =	sgt.u32 s24, $0x7A;
	s0 =	smul.u32 $0xAB, s0  }
0x5d: {  	[tilespmem:s3], [sflag:$0x8] =	stream.linear.gather @!p4 [hbm4b:s8+s25], $0xC80, $0x38;
	[tilespmem:$0x1F800] =	vst v63  }
0x5e: {  	s0 =	sshrl.u32 s0, $0x9;
	s3 =	sshrl.u32 s9, $0xA;
	p4 =	sgt.u32 @!p0 s24, $0x61  }
0x5f: {  	s9 =	sand.u32 @!p0 $0xFF, s31;
	s8 =	sshll.u32 s3, $0xC;
	p5 =	por p4, p0  }
0x60: {  	s21 =	sand.u32 $0xFF, s31;
	s0 =	smul.u32 $0x3, s0;
	s8 =	sand.u32 $0x1000, s8  }
0x61: {  	s21 =	smul.u32 $0x29, s21;
	s23 =	simm.s32 @!p3 $0x4  }
0x62: {  	s9 =	smul.u32 @!p0 $0xAB, s9;
	s0 =	ssub.s32 s24, s0  }
0x63: {  	s21 =	sshrl.u32 s21, $0xA;
	s3 =	smul.u32 $0x19, s3;
	s0 =	sand.u32 $0xFF, s0  }
0x64: {  	s11 =	sshll.u32 @!p0 s21, $0xC;
	s25 =	smul.u32 $0xA000, s0;
	s0 =	sadd.s32 $0x1, s0  }
0x65: {  	s21 =	smul.u32 $0x19, s21;
	s3 =	ssub.s32 s24, s3;
	_ =	swait.ge [sflag:s0], $0x2800  }
0x66: {  	s3 =	sand.u32 $0xFF, s3;
	s24 =	sshrl.u32 s25, $0x2;
	[sflag:s0] =	ssyncset.done $0x0  }
0x67: {  	s21 =	ssub.s32 s31, s21;
	[sflag:s0] =	ssyncadd.s32 $0xFFFFD800;
	s0 =	sshll.u32 s3, $0x7  }
0x68: {  	s3 =	sand.u32 @!p0 $0xFF, s21;
	_ =	swait.ge @!p3 [sflag:s23], $0x2800;
	s0 =	sadd.s32 s0, s8  }
0x69: {  	p2 =	sne.s32 @!p0 s3, $0x0;
	s3 =	sshrl.u32 @!p0 s9, $0x9;
	s8 =	sand.u32 @!p0 $0x1000, s11  }
0x6a: {  	s9 =	sand.u32 $0xFF, s21;
	s21 =	sand.u32 @!p5 $0xFF, s21;
	p2 =	por p2, p0  }
0x6b: {  	p5 =	sne.s32 @!p5 s21, $0x2;
	s25 =	simm.s32 @!p2 $0x7;
	[sflag:s23] =	ssyncset.done @!p3 $0x0  }
0x6c: {  	s3 =	smul.u32 @!p0 $0x3, s3;
	s9 =	sshll.u32 @!p0 s9, $0x7;
	p4 =	por @!p0 p5, p4  }
0x6d: {  	s21 =	sadd.s32 $0x4000, s24;
	s24 =	sadd.s32 $0x2000, s0;
	s0 =	sadd.s32 @!p0 s9, s8  }
0x6e: {  	s3 =	ssub.s32 @!p0 s31, s3;
	[sflag:s23] =	ssyncadd.s32 @!p3 $0xFFFFD800  }
0x6f: {  	[spmem:s4] =	stream.indirect.scatter.add.f32 [tilespmem:s21], [sflag:$0x4], $0x80, s24, s22, $0xb8;
	[tilespmem:$0x1F800] =	vst v63  }
.Ltmp1:
0x70: {  	_ = 	snop;
	(pc) =	sbr.rel @p1 .LBB2_4-.Ltmp1, $4  }
0x71: {  	s31 =	simm.s32 @!p2 $0x8;
	s3 =	sand.u32 @!p0 $0xFF, s3;
	_ =	swait.ge @!p2 [sflag:s25], $0xC80  }
0x72: {  	s8 =	smul.u32 @!p0 $0xA000, s3;
	s21 =	sadd.s32 @!p0 $0x1, s3;
	[sflag:s25] =	ssyncset.done @!p2 $0x0  }
0x73: {  	p4 =	por p4, p0;
	[sflag:s25] =	ssyncadd.s32 @!p2 $0xFFFFF380  }
0x74: {  	s23 =	sadd.s32 @!p4 $0x1000, s11;
	s3 =	sshrl.u32 @!p0 s8, $0x2;
	_ =	swait.ge @!p2 [sflag:s31], $0xC80  }
0x75: {  	s8 =	simm.s32 @!p0 $0x50;
	s9 =	sadd.s32 @!p4 s6, s23;
	[sflag:s31] =	ssyncset.done @!p2 $0x0  }
0x76: {  	s3 =	sadd.s32 @!p0 $0x4000, s3;
	s9 =	sshrl.u32 @!p4 s9, $0x3;
	[sflag:s31] =	ssyncadd.s32 @!p2 $0xFFFFF380  }
0x77: {  	[tilespmem:s3], [sflag:s21] =	stream.indirect.gather @!p0 [hbm4b:s1+s8], $0x80, s0, s8, $0xb8;
	[tilespmem:$0x1F800] =	vst v63  }
0x78: {  	s0 =	simm.s32 @!p4 $0x0;
	s3 =	sand.u32 @!p4 $0x1000, s23;
	s8 =	sadd.s32 @!p4 s2, s9  }
0x79: {  	[tilespmem:s3], [sflag:$0x7] =	stream.linear.gather @!p4 [hbm4b:s8+s0], $0xC80, $0x38;
	[tilespmem:$0x1F800] =	vst v63  }
0x7a: {  	s3 =	sor.u32 @!p4 $0x2000, s3;
	s8 =	sadd.s32 @!p4 s7, s9  }
0x7b: {  	[tilespmem:s3], [sflag:$0x8] =	stream.linear.gather @!p4 [hbm4b:s8+s0], $0xC80, $0x38;
	[tilespmem:$0x1F800] =	vst v63  }
0x7c: {  	s30 =	stileid.u32;
	_ =	swait.ge [sflag:s28], $0x2800  }
0x7d: {  	s29 =	sadd.s32 $0x1, s29;
	s31 =	sshrl.u32 s10, $0x3;
	[sflag:s28] =	ssyncset.done $0x0  }
0x7e: {  	p0 =	sne.s32 s29, s19;
	s0 =	sshll.u32 s30, $0x6;
	[sflag:s28] =	ssyncadd.s32 $0xFFFFD800  }
.Ltmp2:
0x7f: {  	s0 =	sor.u32 $0x1C09, s0;
	[bflag:$0x0] =	sbarrier.arrive $0xFFFF;
	(pc) =	sbr.rel @p0 .LBB2_1-.Ltmp2, $4  }
0x80: {  	[hbm:s18], [sflag:s0] =	dma.local [spmem:s31], $0x2800  }
0x81: {  	_ =	swait.ge [sflag:s20], $0x2800  }
0x82: {  	[sflag:s20] =	ssyncset.done $0x0  }
0x83: {  	[sflag:s20] =	ssyncadd.s32 $0xFFFFD800  }
0x84: {  	_ =	sfence.sel $0x180000  }
0x85: {  	[bflag:$0x0] =	sbarrier.arrive $0xFFFF  }
0x86: {  	_ =	strace $0x90000047  }
0x87: {  	s0 =	stileid.u32;
	[bflag:$0x2] =	sbarrier.arrive $0xFFFF  }
0x88: {  	p0 =	sne.s32 s0, $0x0;
	s0 =	rddreg [dreg:$0x4]  }
0x89: {  	s0 =	sadd.s32 @!p0 $0x100000, s0  }
0x8a: {  	[sflag:s0] =	ssyncadd.tile.s32 @!p0 $0x1;
	_ =	shalt  }
.Lfunc_end2:
_tile_overlayer_lowered:
.L_overlay_start_2:
0x8b: {  	(tag) =	ssettag $0x2  }
0x8c: {  	s0 =	rddreg [dreg:$0x0];
	s2 =	stileid.u32  }
0x8d: {  	s1 =	rddreg [dreg:$0x1];
	p0 =	sne.s32 s2, $0x0  }
0x8e: {  	s3 =	rddreg [dreg:$0x2];
	[bflag:$0x3] =	sbarrier.arrive $0xFFFF;
	s2 =	simm.s32 @!p0 $0x1C09  }
0x8f: {  	[timem:s3], [sflag:s2] =	dma.local @!p0 [hbm:s0], s1  }
0x90: {  	s0 =	simm.s32 @!p0 $0x9  }
0x91: {  	_ =	swait.ge @!p0 [sflag:s0], s1  }
0x92: {  	s1 =	ssub.s32 @!p0 $0x0, s1;
	[sflag:s0] =	ssyncset.done @!p0 $0x0  }
0x93: {  	[sflag:s0] =	ssyncadd.s32 @!p0 s1  }
0x94: {  	[bflag:$0x3] =	sbarrier.arrive $0xFFFF  }
0x95: {  	_ =	shalt  }

</sc_bundles>
